<compile_context>
chip_gen: v7x
topology: tpu7x:2x2x1
jax: 0.10.2.dev20260603
libtpu: 0.0.44.dev20260713+nightly
codegen_flags: <defaults>
</compile_context>

<pallas_src>
import jax
import jax.numpy as jnp
from jax import lax
from jax.experimental import pallas as pl
from jax.experimental.pallas import tpu as pltpu
from jax.experimental.pallas import tpu_sc as plsc

_NC = 2
_NS = 16
_NW = _NC * _NS
_LANES = 16
_B = 80


def _make_edge_agg(n, e, d, with_deg):
  epw = e // _NW
  assert epw * _NW == e and epw % _B == 0
  nchunks = epw // _B
  rpt = n // _NS
  assert rpt * _NS == n and rpt % 8 == 0

  mesh = plsc.VectorSubcoreMesh(core_axis_name="c", subcore_axis_name="s")
  out_type = [jax.ShapeDtypeStruct((_NC, n, d), jnp.float32)]
  scratch = [
      pltpu.VMEM((_B,), jnp.int32),
      pltpu.VMEM((_B,), jnp.int32),
      pltpu.VMEM((_B, d), jnp.float32),
      pltpu.VMEM_SHARED((n, d), jnp.float32),
      pltpu.SemaphoreType.DMA,
  ]
  if with_deg:
    out_type.append(jax.ShapeDtypeStruct((_NC, n, _LANES), jnp.float32))
    scratch += [
        pltpu.VMEM((_B, _LANES), jnp.float32),
        pltpu.VMEM_SHARED((n, _LANES), jnp.float32),
    ]

  if with_deg:
    def body(feat, src, dst, zacc, zdeg, ones, acc_out, deg_out,
             sidx, didx, rows, acc_sh, sem, ones_v, deg_sh):
      _agg_body(feat, src, dst, zacc, acc_out, sidx, didx, rows, acc_sh,
                sem, zdeg=zdeg, ones=ones, deg_out=deg_out, ones_v=ones_v,
                deg_sh=deg_sh)
  else:
    def body(feat, src, dst, zacc, acc_out, sidx, didx, rows, acc_sh, sem):
      _agg_body(feat, src, dst, zacc, acc_out, sidx, didx, rows, acc_sh,
                sem)

  def _agg_body(feat, src, dst, zacc, acc_out, sidx, didx, rows, acc_sh,
                sem, zdeg=None, ones=None, deg_out=None, ones_v=None,
                deg_sh=None):
    c = lax.axis_index("c")
    s = lax.axis_index("s")
    wid = c * _NS + s
    rbase = s * rpt
    pltpu.sync_copy(zacc, acc_sh.at[pl.ds(rbase, rpt)])
    if with_deg:
      pltpu.sync_copy(zdeg, deg_sh.at[pl.ds(rbase, rpt)])
      pltpu.sync_copy(ones, ones_v)
    plsc.subcore_barrier()

    ebase = wid * epw

    def step(j, carry):
      base = ebase + j * _B
      pltpu.sync_copy(src.at[pl.ds(base, _B)], sidx)
      cp = pltpu.async_copy(feat.at[sidx], rows, sem)
      pltpu.sync_copy(dst.at[pl.ds(base, _B)], didx)
      cp.wait()
      pltpu.sync_copy(rows, acc_sh.at[didx], add=True)
      if with_deg:
        pltpu.sync_copy(ones_v, deg_sh.at[didx], add=True)
      return carry

    lax.fori_loop(0, nchunks, step, 0)
    plsc.subcore_barrier()
    pltpu.sync_copy(acc_sh.at[pl.ds(rbase, rpt)],
                    acc_out.at[c, pl.ds(rbase, rpt)])
    if with_deg:
      pltpu.sync_copy(deg_sh.at[pl.ds(rbase, rpt)],
                      deg_out.at[c, pl.ds(rbase, rpt)])

  return pl.kernel(body, out_type=out_type, mesh=mesh,
                   scratch_types=scratch,
                   compiler_params=pltpu.CompilerParams(
                       use_tc_tiling_on_sc=False))


def _tc_proj(x, w, b):
  n, din = x.shape
  dout = w.shape[0]
  bm = 1000

  def body(x_ref, w_ref, b_ref, o_ref):
    o_ref[...] = lax.dot_general(
        x_ref[...], w_ref[...], (((1,), (1,)), ((), ())),
        preferred_element_type=jnp.float32) + b_ref[...]

  return pl.pallas_call(
      body,
      grid=(n // bm,),
      in_specs=[pl.BlockSpec((bm, din), lambda i: (i, 0)),
                pl.BlockSpec((dout, din), lambda i: (0, 0)),
                pl.BlockSpec((1, dout), lambda i: (0, 0))],
      out_specs=pl.BlockSpec((bm, dout), lambda i: (i, 0)),
      out_shape=jax.ShapeDtypeStruct((n, dout), jnp.float32),
  )(x, w, b.reshape(1, dout))


def _tc_mid(acc, dega, xr, w1l, w2lp, w2rp, b2p):
  n = xr.shape[0]
  dh = xr.shape[1]
  dz = w2lp.shape[0]
  bm = 1000

  def body(acc_ref, deg_ref, xr_ref, wl_ref, w2l_ref, w2r_ref,
           b2_ref, y2_ref, hr_ref):
    a = acc_ref[0] + acc_ref[1]
    deg = deg_ref[0, :, 0:1] + deg_ref[1, :, 0:1]
    agg = a / jnp.maximum(deg, 1.0)
    pre = lax.dot_general(agg, wl_ref[...], (((1,), (1,)), ((), ())),
                          preferred_element_type=jnp.float32)
    h = jnp.maximum(pre + xr_ref[...], 0.0)
    y2_ref[...] = lax.dot_general(h, w2l_ref[...], (((1,), (1,)), ((), ())),
                                  preferred_element_type=jnp.float32)
    hr_ref[...] = lax.dot_general(h, w2r_ref[...], (((1,), (1,)), ((), ())),
                                  preferred_element_type=jnp.float32) + b2_ref[...]

  return pl.pallas_call(
      body,
      grid=(n // bm,),
      in_specs=[pl.BlockSpec((_NC, bm, dh), lambda i: (0, i, 0)),
                pl.BlockSpec((_NC, bm, _LANES), lambda i: (0, i, 0)),
                pl.BlockSpec((bm, dh), lambda i: (i, 0)),
                pl.BlockSpec((dh, dh), lambda i: (0, 0)),
                pl.BlockSpec((dz, dh), lambda i: (0, 0)),
                pl.BlockSpec((dz, dh), lambda i: (0, 0)),
                pl.BlockSpec((1, dz), lambda i: (0, 0))],
      out_specs=[pl.BlockSpec((bm, dz), lambda i: (i, 0)),
                 pl.BlockSpec((bm, dz), lambda i: (i, 0))],
      out_shape=[jax.ShapeDtypeStruct((n, dz), jnp.float32),
                 jax.ShapeDtypeStruct((n, dz), jnp.float32)],
  )(acc, dega, xr, w1l, w2lp, w2rp, b2p)


def _tc_final(acc2, dega, hr):
  n = hr.shape[0]
  dz = hr.shape[1]
  bm = 1000

  def body(acc_ref, deg_ref, hr_ref, o_ref):
    a = acc_ref[0] + acc_ref[1]
    deg = deg_ref[0, :, 0:1] + deg_ref[1, :, 0:1]
    o_ref[...] = a / jnp.maximum(deg, 1.0) + hr_ref[...]

  return pl.pallas_call(
      body,
      grid=(n // bm,),
      in_specs=[pl.BlockSpec((_NC, bm, dz), lambda i: (0, i, 0)),
                pl.BlockSpec((_NC, bm, _LANES), lambda i: (0, i, 0)),
                pl.BlockSpec((bm, dz), lambda i: (i, 0))],
      out_specs=pl.BlockSpec((bm, dz), lambda i: (i, 0)),
      out_shape=jax.ShapeDtypeStruct((n, dz), jnp.float32),
  )(acc2, dega, hr)


@jax.jit
def kernel(x, edge_index, W1_l, b1, W1_r, W2_l, b2, W2_r):
  n, din = x.shape
  e = edge_index.shape[1]
  dh = W1_l.shape[0]
  ncls = W2_l.shape[0]
  dz = ((ncls + _LANES - 1) // _LANES) * _LANES

  src = edge_index[0]
  dst = edge_index[1]
  npad = -(-n // (_NS * 8)) * (_NS * 8)
  rpt = npad // _NS
  zacc1 = jnp.zeros((rpt, din), jnp.float32)
  zdeg = jnp.zeros((rpt, _LANES), jnp.float32)
  ones = jnp.ones((_B, _LANES), jnp.float32)
  zacc2 = jnp.zeros((rpt, dz), jnp.float32)

  agg1 = _make_edge_agg(npad, e, din, with_deg=True)
  accx, dega = agg1(x, src, dst, zacc1, zdeg, ones)
  xr = _tc_proj(x, W1_r, b1)

  w2lp = jnp.pad(W2_l, ((0, dz - ncls), (0, 0)))
  w2rp = jnp.pad(W2_r, ((0, dz - ncls), (0, 0)))
  b2p = jnp.pad(b2, (0, dz - ncls)).reshape(1, dz)
  y2, hr = _tc_mid(accx, dega, xr, W1_l, w2lp, w2rp, b2p)

  agg2 = _make_edge_agg(npad, e, dz, with_deg=False)
  (acc2,) = agg2(y2, src, dst, zacc2)

  out = _tc_final(acc2, dega, hr)
  return out[:, :ncls]

# --- scband reference (transcript-rebuilt; emitter-appended) ---
"""Pipeline reference for scband-graph-sage-23227183137262 (READ-ONLY COPY).

The authoritative reference and input builder live on the scoring server;
editing this copy changes nothing except your own understanding.
"""

import jax, jax.numpy as jnp
import numpy as np

N = 10000
E = 320000
D_IN = 128
D_H = 128
N_CLS = 40


def setup_inputs(seed: int = 0) -> dict:
    key = jax.random.key(seed)
    ks = jax.random.split(key, 9)
    x = jax.random.normal(ks[0], (N, D_IN), dtype=jnp.float32)
    edge_index = jax.random.randint(ks[1], (2, E), 0, N, dtype=jnp.int32)
    s_in = 1.0 / np.sqrt(D_IN)
    s_h = 1.0 / np.sqrt(D_H)
    W1_l = jax.random.normal(ks[2], (D_H, D_IN), dtype=jnp.float32) * s_in
    b1 = jnp.zeros((D_H,), dtype=jnp.float32)
    W1_r = jax.random.normal(ks[3], (D_H, D_IN), dtype=jnp.float32) * s_in
    W2_l = jax.random.normal(ks[4], (N_CLS, D_H), dtype=jnp.float32) * s_h
    b2 = jnp.zeros((N_CLS,), dtype=jnp.float32)
    W2_r = jax.random.normal(ks[5], (N_CLS, D_H), dtype=jnp.float32) * s_h
    return {"x": x, "edge_index": edge_index, "W1_l": W1_l, "b1": b1, "W1_r": W1_r, "W2_l": W2_l, "b2": b2, "W2_r": W2_r}


def _sage_conv(x, edge_index, W_l, b_l, W_r):
    src = edge_index[0]
    dst = edge_index[1]
    msgs = jnp.take(x, src, axis=0)
    agg = jax.ops.segment_sum(msgs, dst, num_segments=x.shape[0])
    deg = jax.ops.segment_sum(jnp.ones((src.shape[0],), x.dtype), dst, num_segments=x.shape[0])
    agg = agg / jnp.maximum(deg, 1.0)[:, None]
    return agg @ W_l.T + b_l + x @ W_r.T


def reference(x, edge_index, W1_l, b1, W1_r, W2_l, b2, W2_r):
    # eval mode: dropout is identity
    h = jax.nn.relu(_sage_conv(x, edge_index, W1_l, b1, W1_r))
    return _sage_conv(h, edge_index, W2_l, b2, W2_r)

if __name__ == "__main__":
    import jax
    _d = setup_inputs()
    print(jax.jit(kernel)(*tuple(_d.values())))

</pallas_src>

<mosaic_0001>
#map = affine_map<(d0, d1) -> (0, 0)>
#map1 = affine_map<(d0, d1) -> (0)>
#map2 = affine_map<(d0, d1) -> (0, 0, 0)>
module attributes {stable_mosaic.version = 14 : i64} {
  func.func @body(%arg0: i32, %arg1: i32, %arg2: memref<10000x128xf32, #tpu.memory_space<hbm>>, %arg3: memref<320000xi32, #tpu.memory_space<hbm>>, %arg4: memref<320000xi32, #tpu.memory_space<hbm>>, %arg5: memref<632x128xf32, #tpu.memory_space<hbm>>, %arg6: memref<632x16xf32, #tpu.memory_space<hbm>>, %arg7: memref<80x16xf32, #tpu.memory_space<hbm>>, %arg8: memref<2x10112x128xf32, #tpu.memory_space<hbm>>, %arg9: memref<2x10112x16xf32, #tpu.memory_space<hbm>>, %arg10: memref<80xi32, #tpu.memory_space<vmem>>, %arg11: memref<80xi32, #tpu.memory_space<vmem>>, %arg12: memref<80x128xf32, #tpu.memory_space<vmem>>, %arg13: memref<10112x128xf32, #tpu.memory_space<vmem_shared>>, %arg14: memref<!tpu.dma_semaphore, #tpu.memory_space<semaphore_mem>>, %arg15: memref<80x16xf32, #tpu.memory_space<vmem>>, %arg16: memref<10112x16xf32, #tpu.memory_space<vmem_shared>>) attributes {dimension_semantics = [#tpu.dimension_semantics<core_parallel>, #tpu.dimension_semantics<subcore_parallel>], iteration_bounds = array<i64: 2, 16>, scalar_prefetch = 0 : i64, scratch_operands = 7 : i64, tpu.core_type = #tpu.core_type<sc_vector_subcore>, window_params = [{transform_indices = #map}, {transform_indices = #map1}, {transform_indices = #map1}, {transform_indices = #map}, {transform_indices = #map}, {transform_indices = #map}, {transform_indices = #map2}, {transform_indices = #map2}]} {
    %mul3A = arith.constant 16 : i32
    %mul3A_0 = arith.muli %arg0, %mul3A : i32
    %add3A = arith.addi %mul3A_0, %arg1 : i32
    %mul3A_1 = arith.constant 632 : i32
    %mul3A_2 = arith.muli %arg1, %mul3A_1 : i32
    "tpu.region"() ({
      %run_scoped3A = tpu.sem_alloc : memref<!tpu.dma_semaphore, #tpu.memory_space<semaphore_mem>>
      %dma_start3A = arith.constant 0 : i32
      %dma_start3A_11 = tpu.memref_slice %arg13[%mul3A_2, %dma_start3A] : memref<10112x128xf32, #tpu.memory_space<vmem_shared>> -> memref<632x128xf32, #tpu.memory_space<vmem_shared>>
      tpu.enqueue_dma source(%arg5 : memref<632x128xf32, #tpu.memory_space<hbm>>) target(%dma_start3A_11 : memref<632x128xf32, #tpu.memory_space<vmem_shared>>) target_semaphore(%run_scoped3A : memref<!tpu.dma_semaphore, #tpu.memory_space<semaphore_mem>>)
      %dma_wait3A = arith.constant 0 : i32
      %dma_wait3A_12 = tpu.memref_slice %arg13[%mul3A_2, %dma_wait3A] : memref<10112x128xf32, #tpu.memory_space<vmem_shared>> -> memref<632x128xf32, #tpu.memory_space<vmem_shared>>
      tpu.wait_dma2 semaphore(%run_scoped3A : memref<!tpu.dma_semaphore, #tpu.memory_space<semaphore_mem>>) src(%arg5 : memref<632x128xf32, #tpu.memory_space<hbm>>) dst(%dma_wait3A_12 : memref<632x128xf32, #tpu.memory_space<vmem_shared>>)
      tpu.yield
    }) : () -> ()
    "tpu.region"() ({
      %run_scoped3A = tpu.sem_alloc : memref<!tpu.dma_semaphore, #tpu.memory_space<semaphore_mem>>
      %dma_start3A = arith.constant 0 : i32
      %dma_start3A_11 = tpu.memref_slice %arg16[%mul3A_2, %dma_start3A] : memref<10112x16xf32, #tpu.memory_space<vmem_shared>> -> memref<632x16xf32, #tpu.memory_space<vmem_shared>>
      tpu.enqueue_dma source(%arg6 : memref<632x16xf32, #tpu.memory_space<hbm>>) target(%dma_start3A_11 : memref<632x16xf32, #tpu.memory_space<vmem_shared>>) target_semaphore(%run_scoped3A : memref<!tpu.dma_semaphore, #tpu.memory_space<semaphore_mem>>)
      %dma_wait3A = arith.constant 0 : i32
      %dma_wait3A_12 = tpu.memref_slice %arg16[%mul3A_2, %dma_wait3A] : memref<10112x16xf32, #tpu.memory_space<vmem_shared>> -> memref<632x16xf32, #tpu.memory_space<vmem_shared>>
      tpu.wait_dma2 semaphore(%run_scoped3A : memref<!tpu.dma_semaphore, #tpu.memory_space<semaphore_mem>>) src(%arg6 : memref<632x16xf32, #tpu.memory_space<hbm>>) dst(%dma_wait3A_12 : memref<632x16xf32, #tpu.memory_space<vmem_shared>>)
      tpu.yield
    }) : () -> ()
    "tpu.region"() ({
      %run_scoped3A = tpu.sem_alloc : memref<!tpu.dma_semaphore, #tpu.memory_space<semaphore_mem>>
      tpu.enqueue_dma source(%arg7 : memref<80x16xf32, #tpu.memory_space<hbm>>) target(%arg15 : memref<80x16xf32, #tpu.memory_space<vmem>>) target_semaphore(%run_scoped3A : memref<!tpu.dma_semaphore, #tpu.memory_space<semaphore_mem>>)
      tpu.wait_dma2 semaphore(%run_scoped3A : memref<!tpu.dma_semaphore, #tpu.memory_space<semaphore_mem>>) src(%arg7 : memref<80x16xf32, #tpu.memory_space<hbm>>) dst(%arg15 : memref<80x16xf32, #tpu.memory_space<vmem>>)
      tpu.yield
    }) : () -> ()
    %barrier3A = arith.constant 0 : index
    tpu.barrier barrier_id(%barrier3A)
    %mul3A_3 = arith.constant 10000 : i32
    %mul3A_4 = arith.muli %add3A, %mul3A_3 : i32
    %scan3A = arith.constant 0 : i32
    %scan3A_5 = arith.constant 0 : i32
    %scan3A_6 = arith.constant 125 : i32
    %scan3A_7 = arith.addi %scan3A_5, %scan3A_6 : i32
    %scan3A_8 = arith.constant 1 : i32
    scf.for %scan3A_11 = %scan3A_5 to %scan3A_7 step %scan3A_8  : i32 {
      %mul3A_12 = arith.constant 80 : i32
      %mul3A_13 = arith.muli %scan3A_11, %mul3A_12 : i32
      %add3A_14 = arith.addi %mul3A_4, %mul3A_13 : i32
      "tpu.region"() ({
        %run_scoped3A = tpu.sem_alloc : memref<!tpu.dma_semaphore, #tpu.memory_space<semaphore_mem>>
        %dma_start3A_19 = tpu.memref_slice %arg3[%add3A_14] : memref<320000xi32, #tpu.memory_space<hbm>> -> memref<80xi32, #tpu.memory_space<hbm>>
        %dma_start3A_20 = tpu.memref_slice %arg3[%add3A_14] : memref<320000xi32, #tpu.memory_space<hbm>> -> memref<80xi32, #tpu.memory_space<hbm>>
        tpu.enqueue_dma source(%dma_start3A_20 : memref<80xi32, #tpu.memory_space<hbm>>) target(%arg10 : memref<80xi32, #tpu.memory_space<vmem>>) target_semaphore(%run_scoped3A : memref<!tpu.dma_semaphore, #tpu.memory_space<semaphore_mem>>)
        %dma_wait3A_21 = tpu.memref_slice %arg3[%add3A_14] : memref<320000xi32, #tpu.memory_space<hbm>> -> memref<80xi32, #tpu.memory_space<hbm>>
        %dma_wait3A_22 = tpu.memref_slice %arg3[%add3A_14] : memref<320000xi32, #tpu.memory_space<hbm>> -> memref<80xi32, #tpu.memory_space<hbm>>
        tpu.wait_dma2 semaphore(%run_scoped3A : memref<!tpu.dma_semaphore, #tpu.memory_space<semaphore_mem>>) src(%dma_wait3A_22 : memref<80xi32, #tpu.memory_space<hbm>>) dst(%arg10 : memref<80xi32, #tpu.memory_space<vmem>>)
        tpu.yield
      }) : () -> ()
      %dma_start3A = arith.constant 0 : i32
      %dma_start3A_15 = arith.constant 0 : i32
      %dma_start3A_16 = tpu.memref_slice %arg2[%dma_start3A, %dma_start3A_15] : memref<10000x128xf32, #tpu.memory_space<hbm>> -> memref<10000x128xf32, #tpu.memory_space<hbm>>
      tpu.enqueue_indirect_dma source(%dma_start3A_16 : memref<10000x128xf32, #tpu.memory_space<hbm>>) target(%arg12 : memref<80x128xf32, #tpu.memory_space<vmem>>) offsets(%arg10 : memref<80xi32, #tpu.memory_space<vmem>>) semaphore(%arg14 : memref<!tpu.dma_semaphore, #tpu.memory_space<semaphore_mem>>)
      "tpu.region"() ({
        %run_scoped3A = tpu.sem_alloc : memref<!tpu.dma_semaphore, #tpu.memory_space<semaphore_mem>>
        %dma_start3A_19 = tpu.memref_slice %arg4[%add3A_14] : memref<320000xi32, #tpu.memory_space<hbm>> -> memref<80xi32, #tpu.memory_space<hbm>>
        %dma_start3A_20 = tpu.memref_slice %arg4[%add3A_14] : memref<320000xi32, #tpu.memory_space<hbm>> -> memref<80xi32, #tpu.memory_space<hbm>>
        tpu.enqueue_dma source(%dma_start3A_20 : memref<80xi32, #tpu.memory_space<hbm>>) target(%arg11 : memref<80xi32, #tpu.memory_space<vmem>>) target_semaphore(%run_scoped3A : memref<!tpu.dma_semaphore, #tpu.memory_space<semaphore_mem>>)
        %dma_wait3A_21 = tpu.memref_slice %arg4[%add3A_14] : memref<320000xi32, #tpu.memory_space<hbm>> -> memref<80xi32, #tpu.memory_space<hbm>>
        %dma_wait3A_22 = tpu.memref_slice %arg4[%add3A_14] : memref<320000xi32, #tpu.memory_space<hbm>> -> memref<80xi32, #tpu.memory_space<hbm>>
        tpu.wait_dma2 semaphore(%run_scoped3A : memref<!tpu.dma_semaphore, #tpu.memory_space<semaphore_mem>>) src(%dma_wait3A_22 : memref<80xi32, #tpu.memory_space<hbm>>) dst(%arg11 : memref<80xi32, #tpu.memory_space<vmem>>)
        tpu.yield
      }) : () -> ()
      %dma_wait3A = arith.constant 0 : i32
      %dma_wait3A_17 = arith.constant 0 : i32
      %dma_wait3A_18 = tpu.memref_slice %arg2[%dma_wait3A, %dma_wait3A_17] : memref<10000x128xf32, #tpu.memory_space<hbm>> -> memref<10000x128xf32, #tpu.memory_space<hbm>>
      tpu.wait_indirect_dma semaphore(%arg14 : memref<!tpu.dma_semaphore, #tpu.memory_space<semaphore_mem>>) src(%dma_wait3A_18 : memref<10000x128xf32, #tpu.memory_space<hbm>>) dst(%arg12 : memref<80x128xf32, #tpu.memory_space<vmem>>)
      "tpu.region"() ({
        %run_scoped3A = tpu.sem_alloc : memref<!tpu.dma_semaphore, #tpu.memory_space<semaphore_mem>>
        %dma_start3A_19 = arith.constant 0 : i32
        %dma_start3A_20 = arith.constant 0 : i32
        %dma_start3A_21 = tpu.memref_slice %arg13[%dma_start3A_19, %dma_start3A_20] : memref<10112x128xf32, #tpu.memory_space<vmem_shared>> -> memref<10112x128xf32, #tpu.memory_space<vmem_shared>>
        tpu.enqueue_indirect_dma source(%arg12 : memref<80x128xf32, #tpu.memory_space<vmem>>) target(%dma_start3A_21 : memref<10112x128xf32, #tpu.memory_space<vmem_shared>>) offsets(%arg11 : memref<80xi32, #tpu.memory_space<vmem>>) semaphore(%run_scoped3A : memref<!tpu.dma_semaphore, #tpu.memory_space<semaphore_mem>>) {add = true}
        %dma_wait3A_22 = arith.constant 0 : i32
        %dma_wait3A_23 = arith.constant 0 : i32
        %dma_wait3A_24 = tpu.memref_slice %arg13[%dma_wait3A_22, %dma_wait3A_23] : memref<10112x128xf32, #tpu.memory_space<vmem_shared>> -> memref<10112x128xf32, #tpu.memory_space<vmem_shared>>
        tpu.wait_indirect_dma semaphore(%run_scoped3A : memref<!tpu.dma_semaphore, #tpu.memory_space<semaphore_mem>>) src(%arg12 : memref<80x128xf32, #tpu.memory_space<vmem>>) dst(%dma_wait3A_24 : memref<10112x128xf32, #tpu.memory_space<vmem_shared>>)
        tpu.yield
      }) : () -> ()
      "tpu.region"() ({
        %run_scoped3A = tpu.sem_alloc : memref<!tpu.dma_semaphore, #tpu.memory_space<semaphore_mem>>
        %dma_start3A_19 = arith.constant 0 : i32
        %dma_start3A_20 = arith.constant 0 : i32
        %dma_start3A_21 = tpu.memref_slice %arg16[%dma_start3A_19, %dma_start3A_20] : memref<10112x16xf32, #tpu.memory_space<vmem_shared>> -> memref<10112x16xf32, #tpu.memory_space<vmem_shared>>
        tpu.enqueue_indirect_dma source(%arg15 : memref<80x16xf32, #tpu.memory_space<vmem>>) target(%dma_start3A_21 : memref<10112x16xf32, #tpu.memory_space<vmem_shared>>) offsets(%arg11 : memref<80xi32, #tpu.memory_space<vmem>>) semaphore(%run_scoped3A : memref<!tpu.dma_semaphore, #tpu.memory_space<semaphore_mem>>) {add = true}
        %dma_wait3A_22 = arith.constant 0 : i32
        %dma_wait3A_23 = arith.constant 0 : i32
        %dma_wait3A_24 = tpu.memref_slice %arg16[%dma_wait3A_22, %dma_wait3A_23] : memref<10112x16xf32, #tpu.memory_space<vmem_shared>> -> memref<10112x16xf32, #tpu.memory_space<vmem_shared>>
        tpu.wait_indirect_dma semaphore(%run_scoped3A : memref<!tpu.dma_semaphore, #tpu.memory_space<semaphore_mem>>) src(%arg15 : memref<80x16xf32, #tpu.memory_space<vmem>>) dst(%dma_wait3A_24 : memref<10112x16xf32, #tpu.memory_space<vmem_shared>>)
        tpu.yield
      }) : () -> ()
    }
    %scan3A_9 = arith.constant 125 : i32
    %barrier3A_10 = arith.constant 0 : index
    tpu.barrier barrier_id(%barrier3A_10)
    "tpu.region"() ({
      %run_scoped3A = tpu.sem_alloc : memref<!tpu.dma_semaphore, #tpu.memory_space<semaphore_mem>>
      %dma_start3A = arith.constant 0 : i32
      %dma_start3A_11 = tpu.memref_slice %arg8[%arg0, %mul3A_2, %dma_start3A] : memref<2x10112x128xf32, #tpu.memory_space<hbm>> -> memref<1x632x128xf32, #tpu.memory_space<hbm>>
      %dma_start3A_12 = tpu.memref_squeeze %dma_start3A_11 : memref<1x632x128xf32, #tpu.memory_space<hbm>> -> memref<632x128xf32, #tpu.memory_space<hbm>>
      %dma_start3A_13 = arith.constant 0 : i32
      %dma_start3A_14 = tpu.memref_slice %arg13[%mul3A_2, %dma_start3A_13] : memref<10112x128xf32, #tpu.memory_space<vmem_shared>> -> memref<632x128xf32, #tpu.memory_space<vmem_shared>>
      tpu.enqueue_dma source(%dma_start3A_14 : memref<632x128xf32, #tpu.memory_space<vmem_shared>>) target(%dma_start3A_12 : memref<632x128xf32, #tpu.memory_space<hbm>>) target_semaphore(%run_scoped3A : memref<!tpu.dma_semaphore, #tpu.memory_space<semaphore_mem>>)
      %dma_wait3A = arith.constant 0 : i32
      %dma_wait3A_15 = tpu.memref_slice %arg8[%arg0, %mul3A_2, %dma_wait3A] : memref<2x10112x128xf32, #tpu.memory_space<hbm>> -> memref<1x632x128xf32, #tpu.memory_space<hbm>>
      %dma_wait3A_16 = tpu.memref_squeeze %dma_wait3A_15 : memref<1x632x128xf32, #tpu.memory_space<hbm>> -> memref<632x128xf32, #tpu.memory_space<hbm>>
      %dma_wait3A_17 = arith.constant 0 : i32
      %dma_wait3A_18 = tpu.memref_slice %arg13[%mul3A_2, %dma_wait3A_17] : memref<10112x128xf32, #tpu.memory_space<vmem_shared>> -> memref<632x128xf32, #tpu.memory_space<vmem_shared>>
      tpu.wait_dma2 semaphore(%run_scoped3A : memref<!tpu.dma_semaphore, #tpu.memory_space<semaphore_mem>>) src(%dma_wait3A_18 : memref<632x128xf32, #tpu.memory_space<vmem_shared>>) dst(%dma_wait3A_16 : memref<632x128xf32, #tpu.memory_space<hbm>>)
      tpu.yield
    }) : () -> ()
    "tpu.region"() ({
      %run_scoped3A = tpu.sem_alloc : memref<!tpu.dma_semaphore, #tpu.memory_space<semaphore_mem>>
      %dma_start3A = arith.constant 0 : i32
      %dma_start3A_11 = tpu.memref_slice %arg9[%arg0, %mul3A_2, %dma_start3A] : memref<2x10112x16xf32, #tpu.memory_space<hbm>> -> memref<1x632x16xf32, #tpu.memory_space<hbm>>
      %dma_start3A_12 = tpu.memref_squeeze %dma_start3A_11 : memref<1x632x16xf32, #tpu.memory_space<hbm>> -> memref<632x16xf32, #tpu.memory_space<hbm>>
      %dma_start3A_13 = arith.constant 0 : i32
      %dma_start3A_14 = tpu.memref_slice %arg16[%mul3A_2, %dma_start3A_13] : memref<10112x16xf32, #tpu.memory_space<vmem_shared>> -> memref<632x16xf32, #tpu.memory_space<vmem_shared>>
      tpu.enqueue_dma source(%dma_start3A_14 : memref<632x16xf32, #tpu.memory_space<vmem_shared>>) target(%dma_start3A_12 : memref<632x16xf32, #tpu.memory_space<hbm>>) target_semaphore(%run_scoped3A : memref<!tpu.dma_semaphore, #tpu.memory_space<semaphore_mem>>)
      %dma_wait3A = arith.constant 0 : i32
      %dma_wait3A_15 = tpu.memref_slice %arg9[%arg0, %mul3A_2, %dma_wait3A] : memref<2x10112x16xf32, #tpu.memory_space<hbm>> -> memref<1x632x16xf32, #tpu.memory_space<hbm>>
      %dma_wait3A_16 = tpu.memref_squeeze %dma_wait3A_15 : memref<1x632x16xf32, #tpu.memory_space<hbm>> -> memref<632x16xf32, #tpu.memory_space<hbm>>
      %dma_wait3A_17 = arith.constant 0 : i32
      %dma_wait3A_18 = tpu.memref_slice %arg16[%mul3A_2, %dma_wait3A_17] : memref<10112x16xf32, #tpu.memory_space<vmem_shared>> -> memref<632x16xf32, #tpu.memory_space<vmem_shared>>
      tpu.wait_dma2 semaphore(%run_scoped3A : memref<!tpu.dma_semaphore, #tpu.memory_space<semaphore_mem>>) src(%dma_wait3A_18 : memref<632x16xf32, #tpu.memory_space<vmem_shared>>) dst(%dma_wait3A_16 : memref<632x16xf32, #tpu.memory_space<hbm>>)
      tpu.yield
    }) : () -> ()
    return
  }
}

#map = affine_map<(d0, d1) -> (0, 0)>
#map1 = affine_map<(d0, d1) -> (0)>
#map2 = affine_map<(d0, d1) -> (0, 0, 0)>
module attributes {stable_mosaic.version = 14 : i64} {
  func.func @body(%arg0: i32, %arg1: i32, %arg2: memref<10000x48xf32, #tpu.memory_space<hbm>>, %arg3: memref<320000xi32, #tpu.memory_space<hbm>>, %arg4: memref<320000xi32, #tpu.memory_space<hbm>>, %arg5: memref<632x48xf32, #tpu.memory_space<hbm>>, %arg6: memref<2x10112x48xf32, #tpu.memory_space<hbm>>, %arg7: memref<80xi32, #tpu.memory_space<vmem>>, %arg8: memref<80xi32, #tpu.memory_space<vmem>>, %arg9: memref<80x48xf32, #tpu.memory_space<vmem>>, %arg10: memref<10112x48xf32, #tpu.memory_space<vmem_shared>>, %arg11: memref<!tpu.dma_semaphore, #tpu.memory_space<semaphore_mem>>) attributes {dimension_semantics = [#tpu.dimension_semantics<core_parallel>, #tpu.dimension_semantics<subcore_parallel>], iteration_bounds = array<i64: 2, 16>, scalar_prefetch = 0 : i64, scratch_operands = 5 : i64, tpu.core_type = #tpu.core_type<sc_vector_subcore>, window_params = [{transform_indices = #map}, {transform_indices = #map1}, {transform_indices = #map1}, {transform_indices = #map}, {transform_indices = #map2}]} {
    %mul3A = arith.constant 16 : i32
    %mul3A_0 = arith.muli %arg0, %mul3A : i32
    %add3A = arith.addi %mul3A_0, %arg1 : i32
    %mul3A_1 = arith.constant 632 : i32
    %mul3A_2 = arith.muli %arg1, %mul3A_1 : i32
    "tpu.region"() ({
      %run_scoped3A = tpu.sem_alloc : memref<!tpu.dma_semaphore, #tpu.memory_space<semaphore_mem>>
      %dma_start3A = arith.constant 0 : i32
      %dma_start3A_11 = tpu.memref_slice %arg10[%mul3A_2, %dma_start3A] : memref<10112x48xf32, #tpu.memory_space<vmem_shared>> -> memref<632x48xf32, #tpu.memory_space<vmem_shared>>
      tpu.enqueue_dma source(%arg5 : memref<632x48xf32, #tpu.memory_space<hbm>>) target(%dma_start3A_11 : memref<632x48xf32, #tpu.memory_space<vmem_shared>>) target_semaphore(%run_scoped3A : memref<!tpu.dma_semaphore, #tpu.memory_space<semaphore_mem>>)
      %dma_wait3A = arith.constant 0 : i32
      %dma_wait3A_12 = tpu.memref_slice %arg10[%mul3A_2, %dma_wait3A] : memref<10112x48xf32, #tpu.memory_space<vmem_shared>> -> memref<632x48xf32, #tpu.memory_space<vmem_shared>>
      tpu.wait_dma2 semaphore(%run_scoped3A : memref<!tpu.dma_semaphore, #tpu.memory_space<semaphore_mem>>) src(%arg5 : memref<632x48xf32, #tpu.memory_space<hbm>>) dst(%dma_wait3A_12 : memref<632x48xf32, #tpu.memory_space<vmem_shared>>)
      tpu.yield
    }) : () -> ()
    %barrier3A = arith.constant 0 : index
    tpu.barrier barrier_id(%barrier3A)
    %mul3A_3 = arith.constant 10000 : i32
    %mul3A_4 = arith.muli %add3A, %mul3A_3 : i32
    %scan3A = arith.constant 0 : i32
    %scan3A_5 = arith.constant 0 : i32
    %scan3A_6 = arith.constant 125 : i32
    %scan3A_7 = arith.addi %scan3A_5, %scan3A_6 : i32
    %scan3A_8 = arith.constant 1 : i32
    scf.for %scan3A_11 = %scan3A_5 to %scan3A_7 step %scan3A_8  : i32 {
      %mul3A_12 = arith.constant 80 : i32
      %mul3A_13 = arith.muli %scan3A_11, %mul3A_12 : i32
      %add3A_14 = arith.addi %mul3A_4, %mul3A_13 : i32
      "tpu.region"() ({
        %run_scoped3A = tpu.sem_alloc : memref<!tpu.dma_semaphore, #tpu.memory_space<semaphore_mem>>
        %dma_start3A_19 = tpu.memref_slice %arg3[%add3A_14] : memref<320000xi32, #tpu.memory_space<hbm>> -> memref<80xi32, #tpu.memory_space<hbm>>
        %dma_start3A_20 = tpu.memref_slice %arg3[%add3A_14] : memref<320000xi32, #tpu.memory_space<hbm>> -> memref<80xi32, #tpu.memory_space<hbm>>
        tpu.enqueue_dma source(%dma_start3A_20 : memref<80xi32, #tpu.memory_space<hbm>>) target(%arg7 : memref<80xi32, #tpu.memory_space<vmem>>) target_semaphore(%run_scoped3A : memref<!tpu.dma_semaphore, #tpu.memory_space<semaphore_mem>>)
        %dma_wait3A_21 = tpu.memref_slice %arg3[%add3A_14] : memref<320000xi32, #tpu.memory_space<hbm>> -> memref<80xi32, #tpu.memory_space<hbm>>
        %dma_wait3A_22 = tpu.memref_slice %arg3[%add3A_14] : memref<320000xi32, #tpu.memory_space<hbm>> -> memref<80xi32, #tpu.memory_space<hbm>>
        tpu.wait_dma2 semaphore(%run_scoped3A : memref<!tpu.dma_semaphore, #tpu.memory_space<semaphore_mem>>) src(%dma_wait3A_22 : memref<80xi32, #tpu.memory_space<hbm>>) dst(%arg7 : memref<80xi32, #tpu.memory_space<vmem>>)
        tpu.yield
      }) : () -> ()
      %dma_start3A = arith.constant 0 : i32
      %dma_start3A_15 = arith.constant 0 : i32
      %dma_start3A_16 = tpu.memref_slice %arg2[%dma_start3A, %dma_start3A_15] : memref<10000x48xf32, #tpu.memory_space<hbm>> -> memref<10000x48xf32, #tpu.memory_space<hbm>>
      tpu.enqueue_indirect_dma source(%dma_start3A_16 : memref<10000x48xf32, #tpu.memory_space<hbm>>) target(%arg9 : memref<80x48xf32, #tpu.memory_space<vmem>>) offsets(%arg7 : memref<80xi32, #tpu.memory_space<vmem>>) semaphore(%arg11 : memref<!tpu.dma_semaphore, #tpu.memory_space<semaphore_mem>>)
      "tpu.region"() ({
        %run_scoped3A = tpu.sem_alloc : memref<!tpu.dma_semaphore, #tpu.memory_space<semaphore_mem>>
        %dma_start3A_19 = tpu.memref_slice %arg4[%add3A_14] : memref<320000xi32, #tpu.memory_space<hbm>> -> memref<80xi32, #tpu.memory_space<hbm>>
        %dma_start3A_20 = tpu.memref_slice %arg4[%add3A_14] : memref<320000xi32, #tpu.memory_space<hbm>> -> memref<80xi32, #tpu.memory_space<hbm>>
        tpu.enqueue_dma source(%dma_start3A_20 : memref<80xi32, #tpu.memory_space<hbm>>) target(%arg8 : memref<80xi32, #tpu.memory_space<vmem>>) target_semaphore(%run_scoped3A : memref<!tpu.dma_semaphore, #tpu.memory_space<semaphore_mem>>)
        %dma_wait3A_21 = tpu.memref_slice %arg4[%add3A_14] : memref<320000xi32, #tpu.memory_space<hbm>> -> memref<80xi32, #tpu.memory_space<hbm>>
        %dma_wait3A_22 = tpu.memref_slice %arg4[%add3A_14] : memref<320000xi32, #tpu.memory_space<hbm>> -> memref<80xi32, #tpu.memory_space<hbm>>
        tpu.wait_dma2 semaphore(%run_scoped3A : memref<!tpu.dma_semaphore, #tpu.memory_space<semaphore_mem>>) src(%dma_wait3A_22 : memref<80xi32, #tpu.memory_space<hbm>>) dst(%arg8 : memref<80xi32, #tpu.memory_space<vmem>>)
        tpu.yield
      }) : () -> ()
      %dma_wait3A = arith.constant 0 : i32
      %dma_wait3A_17 = arith.constant 0 : i32
      %dma_wait3A_18 = tpu.memref_slice %arg2[%dma_wait3A, %dma_wait3A_17] : memref<10000x48xf32, #tpu.memory_space<hbm>> -> memref<10000x48xf32, #tpu.memory_space<hbm>>
      tpu.wait_indirect_dma semaphore(%arg11 : memref<!tpu.dma_semaphore, #tpu.memory_space<semaphore_mem>>) src(%dma_wait3A_18 : memref<10000x48xf32, #tpu.memory_space<hbm>>) dst(%arg9 : memref<80x48xf32, #tpu.memory_space<vmem>>)
      "tpu.region"() ({
        %run_scoped3A = tpu.sem_alloc : memref<!tpu.dma_semaphore, #tpu.memory_space<semaphore_mem>>
        %dma_start3A_19 = arith.constant 0 : i32
        %dma_start3A_20 = arith.constant 0 : i32
        %dma_start3A_21 = tpu.memref_slice %arg10[%dma_start3A_19, %dma_start3A_20] : memref<10112x48xf32, #tpu.memory_space<vmem_shared>> -> memref<10112x48xf32, #tpu.memory_space<vmem_shared>>
        tpu.enqueue_indirect_dma source(%arg9 : memref<80x48xf32, #tpu.memory_space<vmem>>) target(%dma_start3A_21 : memref<10112x48xf32, #tpu.memory_space<vmem_shared>>) offsets(%arg8 : memref<80xi32, #tpu.memory_space<vmem>>) semaphore(%run_scoped3A : memref<!tpu.dma_semaphore, #tpu.memory_space<semaphore_mem>>) {add = true}
        %dma_wait3A_22 = arith.constant 0 : i32
        %dma_wait3A_23 = arith.constant 0 : i32
        %dma_wait3A_24 = tpu.memref_slice %arg10[%dma_wait3A_22, %dma_wait3A_23] : memref<10112x48xf32, #tpu.memory_space<vmem_shared>> -> memref<10112x48xf32, #tpu.memory_space<vmem_shared>>
        tpu.wait_indirect_dma semaphore(%run_scoped3A : memref<!tpu.dma_semaphore, #tpu.memory_space<semaphore_mem>>) src(%arg9 : memref<80x48xf32, #tpu.memory_space<vmem>>) dst(%dma_wait3A_24 : memref<10112x48xf32, #tpu.memory_space<vmem_shared>>)
        tpu.yield
      }) : () -> ()
    }
    %scan3A_9 = arith.constant 125 : i32
    %barrier3A_10 = arith.constant 0 : index
    tpu.barrier barrier_id(%barrier3A_10)
    "tpu.region"() ({
      %run_scoped3A = tpu.sem_alloc : memref<!tpu.dma_semaphore, #tpu.memory_space<semaphore_mem>>
      %dma_start3A = arith.constant 0 : i32
      %dma_start3A_11 = tpu.memref_slice %arg6[%arg0, %mul3A_2, %dma_start3A] : memref<2x10112x48xf32, #tpu.memory_space<hbm>> -> memref<1x632x48xf32, #tpu.memory_space<hbm>>
      %dma_start3A_12 = tpu.memref_squeeze %dma_start3A_11 : memref<1x632x48xf32, #tpu.memory_space<hbm>> -> memref<632x48xf32, #tpu.memory_space<hbm>>
      %dma_start3A_13 = arith.constant 0 : i32
      %dma_start3A_14 = tpu.memref_slice %arg10[%mul3A_2, %dma_start3A_13] : memref<10112x48xf32, #tpu.memory_space<vmem_shared>> -> memref<632x48xf32, #tpu.memory_space<vmem_shared>>
      tpu.enqueue_dma source(%dma_start3A_14 : memref<632x48xf32, #tpu.memory_space<vmem_shared>>) target(%dma_start3A_12 : memref<632x48xf32, #tpu.memory_space<hbm>>) target_semaphore(%run_scoped3A : memref<!tpu.dma_semaphore, #tpu.memory_space<semaphore_mem>>)
      %dma_wait3A = arith.constant 0 : i32
      %dma_wait3A_15 = tpu.memref_slice %arg6[%arg0, %mul3A_2, %dma_wait3A] : memref<2x10112x48xf32, #tpu.memory_space<hbm>> -> memref<1x632x48xf32, #tpu.memory_space<hbm>>
      %dma_wait3A_16 = tpu.memref_squeeze %dma_wait3A_15 : memref<1x632x48xf32, #tpu.memory_space<hbm>> -> memref<632x48xf32, #tpu.memory_space<hbm>>
      %dma_wait3A_17 = arith.constant 0 : i32
      %dma_wait3A_18 = tpu.memref_slice %arg10[%mul3A_2, %dma_wait3A_17] : memref<10112x48xf32, #tpu.memory_space<vmem_shared>> -> memref<632x48xf32, #tpu.memory_space<vmem_shared>>
      tpu.wait_dma2 semaphore(%run_scoped3A : memref<!tpu.dma_semaphore, #tpu.memory_space<semaphore_mem>>) src(%dma_wait3A_18 : memref<632x48xf32, #tpu.memory_space<vmem_shared>>) dst(%dma_wait3A_16 : memref<632x48xf32, #tpu.memory_space<hbm>>)
      tpu.yield
    }) : () -> ()
    return
  }
}

module attributes {stable_mosaic.version = 14 : i64} {
  func.func @body(%arg0: i32, %arg1: memref<1000x128xf32, #tpu.memory_space<vmem>>, %arg2: memref<128x128xf32, #tpu.memory_space<vmem>>, %arg3: memref<1x128xf32, #tpu.memory_space<vmem>>, %arg4: memref<1000x128xf32, #tpu.memory_space<vmem>>) attributes {dimension_semantics = [#tpu.dimension_semantics<arbitrary>], iteration_bounds = array<i64: 10>, scalar_prefetch = 0 : i64, scratch_operands = 0 : i64, tpu.core_type = #tpu.core_type<tc>, window_params = [{transform_indices = @transform_0, window_bounds = array<i64: 1000, 128>}, {pipeline_mode = #tpu.pipeline_mode<synchronous>, transform_indices = @transform_1, window_bounds = array<i64: 128, 128>}, {pipeline_mode = #tpu.pipeline_mode<synchronous>, transform_indices = @transform_2, window_bounds = array<i64: 1, 128>}, {transform_indices = @transform_3, window_bounds = array<i64: 1000, 128>}]} {
    %get3A = arith.constant 0 : index
    %get3A_0 = arith.constant 0 : index
    %get3A_1 = vector.load %arg1[%get3A, %get3A_0] : memref<1000x128xf32, #tpu.memory_space<vmem>>, vector<1000x128xf32>
    %get3A_2 = arith.constant 0 : index
    %get3A_3 = arith.constant 0 : index
    %get3A_4 = vector.load %arg2[%get3A_2, %get3A_3] : memref<128x128xf32, #tpu.memory_space<vmem>>, vector<128x128xf32>
    %dot_general3A = arith.constant dense<0.000000e+00> : vector<1000x128xf32>
    %dot_general3A_5 = tpu.matmul %get3A_1, %get3A_4, %dot_general3A {dimension_numbers = #tpu.dot_dimension_numbers<[1], [1], [0], [0], [0, 0, 1, 0], [], []>, transpose_lhs_hint = false} : vector<1000x128xf32>, vector<128x128xf32>, vector<1000x128xf32> -> vector<1000x128xf32>
    %get3A_6 = arith.constant 0 : index
    %get3A_7 = arith.constant 0 : index
    %get3A_8 = vector.load %arg3[%get3A_6, %get3A_7] : memref<1x128xf32, #tpu.memory_space<vmem>>, vector<1x128xf32>
    %add3A = vector.broadcast %get3A_8 : vector<1x128xf32> to vector<1000x128xf32>
    %add3A_9 = arith.addf %dot_general3A_5, %add3A : vector<1000x128xf32>
    %swap3A = arith.constant 0 : index
    %swap3A_10 = arith.constant 0 : index
    %swap3A_11 = vector.load %arg4[%swap3A, %swap3A_10] : memref<1000x128xf32, #tpu.memory_space<vmem>>, vector<1000x128xf32>
    tpu.vector_store %arg4[%swap3A, %swap3A_10], %add3A_9 {strides = array<i32>} : memref<1000x128xf32, #tpu.memory_space<vmem>>, vector<1000x128xf32>,
    return
  }
  func.func @transform_0(%arg0: i32) -> (i32, i32) {
    %c0_i32 = arith.constant 0 : i32
    %c0_i32_0 = arith.constant 0 : i32
    return %arg0, %c0_i32 : i32, i32
  }
  func.func @transform_1(%arg0: i32) -> (i32, i32) {
    %c0_i32 = arith.constant 0 : i32
    %c0_i32_0 = arith.constant 0 : i32
    %c0_i32_1 = arith.constant 0 : i32
    return %c0_i32, %c0_i32_0 : i32, i32
  }
  func.func @transform_2(%arg0: i32) -> (i32, i32) {
    %c0_i32 = arith.constant 0 : i32
    %c0_i32_0 = arith.constant 0 : i32
    %c0_i32_1 = arith.constant 0 : i32
    return %c0_i32, %c0_i32_0 : i32, i32
  }
  func.func @transform_3(%arg0: i32) -> (i32, i32) {
    %c0_i32 = arith.constant 0 : i32
    %c0_i32_0 = arith.constant 0 : i32
    return %arg0, %c0_i32 : i32, i32
  }
}

module attributes {stable_mosaic.version = 14 : i64} {
  func.func @body(%arg0: i32, %arg1: memref<2x1000x128xf32, #tpu.memory_space<vmem>>, %arg2: memref<2x1000x16xf32, #tpu.memory_space<vmem>>, %arg3: memref<1000x128xf32, #tpu.memory_space<vmem>>, %arg4: memref<128x128xf32, #tpu.memory_space<vmem>>, %arg5: memref<48x128xf32, #tpu.memory_space<vmem>>, %arg6: memref<48x128xf32, #tpu.memory_space<vmem>>, %arg7: memref<1x48xf32, #tpu.memory_space<vmem>>, %arg8: memref<1000x48xf32, #tpu.memory_space<vmem>>, %arg9: memref<1000x48xf32, #tpu.memory_space<vmem>>) attributes {dimension_semantics = [#tpu.dimension_semantics<arbitrary>], iteration_bounds = array<i64: 10>, scalar_prefetch = 0 : i64, scratch_operands = 0 : i64, tpu.core_type = #tpu.core_type<tc>, window_params = [{transform_indices = @transform_0, window_bounds = array<i64: 2, 1000, 128>}, {transform_indices = @transform_1, window_bounds = array<i64: 2, 1000, 16>}, {transform_indices = @transform_2, window_bounds = array<i64: 1000, 128>}, {pipeline_mode = #tpu.pipeline_mode<synchronous>, transform_indices = @transform_3, window_bounds = array<i64: 128, 128>}, {pipeline_mode = #tpu.pipeline_mode<synchronous>, transform_indices = @transform_4, window_bounds = array<i64: 48, 128>}, {pipeline_mode = #tpu.pipeline_mode<synchronous>, transform_indices = @transform_5, window_bounds = array<i64: 48, 128>}, {pipeline_mode = #tpu.pipeline_mode<synchronous>, transform_indices = @transform_6, window_bounds = array<i64: 1, 48>}, {transform_indices = @transform_7, window_bounds = array<i64: 1000, 48>}, {transform_indices = @transform_8, window_bounds = array<i64: 1000, 48>}]} {
    %get3A = arith.constant 0 : index
    %get3A_0 = arith.constant 0 : index
    %get3A_1 = arith.constant 0 : index
    %get3A_2 = vector.load %arg1[%get3A, %get3A_0, %get3A_1] : memref<2x1000x128xf32, #tpu.memory_space<vmem>>, vector<1x1000x128xf32>
    %get3A_3 = vector.shape_cast %get3A_2 : vector<1x1000x128xf32> to vector<1000x128xf32>
    %get3A_4 = arith.constant 1 : index
    %get3A_5 = arith.constant 0 : index
    %get3A_6 = arith.constant 0 : index
    %get3A_7 = vector.load %arg1[%get3A_4, %get3A_5, %get3A_6] : memref<2x1000x128xf32, #tpu.memory_space<vmem>>, vector<1x1000x128xf32>
    %get3A_8 = vector.shape_cast %get3A_7 : vector<1x1000x128xf32> to vector<1000x128xf32>
    %add3A = arith.addf %get3A_3, %get3A_8 : vector<1000x128xf32>
    %get3A_9 = arith.constant 0 : index
    %get3A_10 = arith.constant 0 : index
    %get3A_11 = arith.constant 0 : index
    %get3A_12 = vector.load %arg2[%get3A_9, %get3A_10, %get3A_11] : memref<2x1000x16xf32, #tpu.memory_space<vmem>>, vector<1x1000x1xf32>
    %get3A_13 = vector.shape_cast %get3A_12 : vector<1x1000x1xf32> to vector<1000x1xf32>
    %get3A_14 = arith.constant 1 : index
    %get3A_15 = arith.constant 0 : index
    %get3A_16 = arith.constant 0 : index
    %get3A_17 = vector.load %arg2[%get3A_14, %get3A_15, %get3A_16] : memref<2x1000x16xf32, #tpu.memory_space<vmem>>, vector<1x1000x1xf32>
    %get3A_18 = vector.shape_cast %get3A_17 : vector<1x1000x1xf32> to vector<1000x1xf32>
    %add3A_19 = arith.addf %get3A_13, %get3A_18 : vector<1000x1xf32>
    %max3A = arith.constant 1.000000e+00 : f32
    %max3A_20 = vector.broadcast %max3A : f32 to vector<1000x1xf32>
    %max3A_21 = arith.maximumf %add3A_19, %max3A_20 : vector<1000x1xf32>
    %div3A = vector.broadcast %max3A_21 : vector<1000x1xf32> to vector<1000x128xf32>
    %div3A_22 = arith.divf %add3A, %div3A : vector<1000x128xf32>
    %get3A_23 = arith.constant 0 : index
    %get3A_24 = arith.constant 0 : index
    %get3A_25 = vector.load %arg4[%get3A_23, %get3A_24] : memref<128x128xf32, #tpu.memory_space<vmem>>, vector<128x128xf32>
    %dot_general3A = arith.constant dense<0.000000e+00> : vector<1000x128xf32>
    %dot_general3A_26 = tpu.matmul %div3A_22, %get3A_25, %dot_general3A {dimension_numbers = #tpu.dot_dimension_numbers<[1], [1], [0], [0], [0, 0, 1, 0], [], []>, transpose_lhs_hint = false} : vector<1000x128xf32>, vector<128x128xf32>, vector<1000x128xf32> -> vector<1000x128xf32>
    %get3A_27 = arith.constant 0 : index
    %get3A_28 = arith.constant 0 : index
    %get3A_29 = vector.load %arg3[%get3A_27, %get3A_28] : memref<1000x128xf32, #tpu.memory_space<vmem>>, vector<1000x128xf32>
    %add3A_30 = arith.addf %dot_general3A_26, %get3A_29 : vector<1000x128xf32>
    %max3A_31 = arith.constant 0.000000e+00 : f32
    %max3A_32 = vector.broadcast %max3A_31 : f32 to vector<1000x128xf32>
    %max3A_33 = arith.maximumf %add3A_30, %max3A_32 : vector<1000x128xf32>
    %get3A_34 = arith.constant 0 : index
    %get3A_35 = arith.constant 0 : index
    %get3A_36 = vector.load %arg5[%get3A_34, %get3A_35] : memref<48x128xf32, #tpu.memory_space<vmem>>, vector<48x128xf32>
    %dot_general3A_37 = arith.constant dense<0.000000e+00> : vector<1000x48xf32>
    %dot_general3A_38 = tpu.matmul %max3A_33, %get3A_36, %dot_general3A_37 {dimension_numbers = #tpu.dot_dimension_numbers<[1], [1], [0], [0], [0, 0, 1, 0], [], []>, transpose_lhs_hint = false} : vector<1000x128xf32>, vector<48x128xf32>, vector<1000x48xf32> -> vector<1000x48xf32>
    %swap3A = arith.constant 0 : index
    %swap3A_39 = arith.constant 0 : index
    %swap3A_40 = vector.load %arg8[%swap3A, %swap3A_39] : memref<1000x48xf32, #tpu.memory_space<vmem>>, vector<1000x48xf32>
    tpu.vector_store %arg8[%swap3A, %swap3A_39], %dot_general3A_38 {strides = array<i32>} : memref<1000x48xf32, #tpu.memory_space<vmem>>, vector<1000x48xf32>,
    %get3A_41 = arith.constant 0 : index
    %get3A_42 = arith.constant 0 : index
    %get3A_43 = vector.load %arg6[%get3A_41, %get3A_42] : memref<48x128xf32, #tpu.memory_space<vmem>>, vector<48x128xf32>
    %dot_general3A_44 = arith.constant dense<0.000000e+00> : vector<1000x48xf32>
    %dot_general3A_45 = tpu.matmul %max3A_33, %get3A_43, %dot_general3A_44 {dimension_numbers = #tpu.dot_dimension_numbers<[1], [1], [0], [0], [0, 0, 1, 0], [], []>, transpose_lhs_hint = false} : vector<1000x128xf32>, vector<48x128xf32>, vector<1000x48xf32> -> vector<1000x48xf32>
    %get3A_46 = arith.constant 0 : index
    %get3A_47 = arith.constant 0 : index
    %get3A_48 = vector.load %arg7[%get3A_46, %get3A_47] : memref<1x48xf32, #tpu.memory_space<vmem>>, vector<1x48xf32>
    %add3A_49 = vector.broadcast %get3A_48 : vector<1x48xf32> to vector<1000x48xf32>
    %add3A_50 = arith.addf %dot_general3A_45, %add3A_49 : vector<1000x48xf32>
    %swap3A_51 = arith.constant 0 : index
    %swap3A_52 = arith.constant 0 : index
    %swap3A_53 = vector.load %arg9[%swap3A_51, %swap3A_52] : memref<1000x48xf32, #tpu.memory_space<vmem>>, vector<1000x48xf32>
    tpu.vector_store %arg9[%swap3A_51, %swap3A_52], %add3A_50 {strides = array<i32>} : memref<1000x48xf32, #tpu.memory_space<vmem>>, vector<1000x48xf32>,
    return
  }
  func.func @transform_0(%arg0: i32) -> (i32, i32, i32) {
    %c0_i32 = arith.constant 0 : i32
    %c0_i32_0 = arith.constant 0 : i32
    %c0_i32_1 = arith.constant 0 : i32
    return %c0_i32, %arg0, %c0_i32_0 : i32, i32, i32
  }
  func.func @transform_1(%arg0: i32) -> (i32, i32, i32) {
    %c0_i32 = arith.constant 0 : i32
    %c0_i32_0 = arith.constant 0 : i32
    %c0_i32_1 = arith.constant 0 : i32
    return %c0_i32, %arg0, %c0_i32_0 : i32, i32, i32
  }
  func.func @transform_2(%arg0: i32) -> (i32, i32) {
    %c0_i32 = arith.constant 0 : i32
    %c0_i32_0 = arith.constant 0 : i32
    return %arg0, %c0_i32 : i32, i32
  }
  func.func @transform_3(%arg0: i32) -> (i32, i32) {
    %c0_i32 = arith.constant 0 : i32
    %c0_i32_0 = arith.constant 0 : i32
    %c0_i32_1 = arith.constant 0 : i32
    return %c0_i32, %c0_i32_0 : i32, i32
  }
  func.func @transform_4(%arg0: i32) -> (i32, i32) {
    %c0_i32 = arith.constant 0 : i32
    %c0_i32_0 = arith.constant 0 : i32
    %c0_i32_1 = arith.constant 0 : i32
    return %c0_i32, %c0_i32_0 : i32, i32
  }
  func.func @transform_5(%arg0: i32) -> (i32, i32) {
    %c0_i32 = arith.constant 0 : i32
    %c0_i32_0 = arith.constant 0 : i32
    %c0_i32_1 = arith.constant 0 : i32
    return %c0_i32, %c0_i32_0 : i32, i32
  }
  func.func @transform_6(%arg0: i32) -> (i32, i32) {
    %c0_i32 = arith.constant 0 : i32
    %c0_i32_0 = arith.constant 0 : i32
    %c0_i32_1 = arith.constant 0 : i32
    return %c0_i32, %c0_i32_0 : i32, i32
  }
  func.func @transform_7(%arg0: i32) -> (i32, i32) {
    %c0_i32 = arith.constant 0 : i32
    %c0_i32_0 = arith.constant 0 : i32
    return %arg0, %c0_i32 : i32, i32
  }
  func.func @transform_8(%arg0: i32) -> (i32, i32) {
    %c0_i32 = arith.constant 0 : i32
    %c0_i32_0 = arith.constant 0 : i32
    return %arg0, %c0_i32 : i32, i32
  }
}

module attributes {stable_mosaic.version = 14 : i64} {
  func.func @body(%arg0: i32, %arg1: memref<2x1000x48xf32, #tpu.memory_space<vmem>>, %arg2: memref<2x1000x16xf32, #tpu.memory_space<vmem>>, %arg3: memref<1000x48xf32, #tpu.memory_space<vmem>>, %arg4: memref<1000x48xf32, #tpu.memory_space<vmem>>) attributes {dimension_semantics = [#tpu.dimension_semantics<arbitrary>], iteration_bounds = array<i64: 10>, scalar_prefetch = 0 : i64, scratch_operands = 0 : i64, tpu.core_type = #tpu.core_type<tc>, window_params = [{transform_indices = @transform_0, window_bounds = array<i64: 2, 1000, 48>}, {transform_indices = @transform_1, window_bounds = array<i64: 2, 1000, 16>}, {transform_indices = @transform_2, window_bounds = array<i64: 1000, 48>}, {transform_indices = @transform_3, window_bounds = array<i64: 1000, 48>}]} {
    %get3A = arith.constant 0 : index
    %get3A_0 = arith.constant 0 : index
    %get3A_1 = arith.constant 0 : index
    %get3A_2 = vector.load %arg1[%get3A, %get3A_0, %get3A_1] : memref<2x1000x48xf32, #tpu.memory_space<vmem>>, vector<1x1000x48xf32>
    %get3A_3 = vector.shape_cast %get3A_2 : vector<1x1000x48xf32> to vector<1000x48xf32>
    %get3A_4 = arith.constant 1 : index
    %get3A_5 = arith.constant 0 : index
    %get3A_6 = arith.constant 0 : index
    %get3A_7 = vector.load %arg1[%get3A_4, %get3A_5, %get3A_6] : memref<2x1000x48xf32, #tpu.memory_space<vmem>>, vector<1x1000x48xf32>
    %get3A_8 = vector.shape_cast %get3A_7 : vector<1x1000x48xf32> to vector<1000x48xf32>
    %add3A = arith.addf %get3A_3, %get3A_8 : vector<1000x48xf32>
    %get3A_9 = arith.constant 0 : index
    %get3A_10 = arith.constant 0 : index
    %get3A_11 = arith.constant 0 : index
    %get3A_12 = vector.load %arg2[%get3A_9, %get3A_10, %get3A_11] : memref<2x1000x16xf32, #tpu.memory_space<vmem>>, vector<1x1000x1xf32>
    %get3A_13 = vector.shape_cast %get3A_12 : vector<1x1000x1xf32> to vector<1000x1xf32>
    %get3A_14 = arith.constant 1 : index
    %get3A_15 = arith.constant 0 : index
    %get3A_16 = arith.constant 0 : index
    %get3A_17 = vector.load %arg2[%get3A_14, %get3A_15, %get3A_16] : memref<2x1000x16xf32, #tpu.memory_space<vmem>>, vector<1x1000x1xf32>
    %get3A_18 = vector.shape_cast %get3A_17 : vector<1x1000x1xf32> to vector<1000x1xf32>
    %add3A_19 = arith.addf %get3A_13, %get3A_18 : vector<1000x1xf32>
    %max3A = arith.constant 1.000000e+00 : f32
    %max3A_20 = vector.broadcast %max3A : f32 to vector<1000x1xf32>
    %max3A_21 = arith.maximumf %add3A_19, %max3A_20 : vector<1000x1xf32>
    %div3A = vector.broadcast %max3A_21 : vector<1000x1xf32> to vector<1000x48xf32>
    %div3A_22 = arith.divf %add3A, %div3A : vector<1000x48xf32>
    %get3A_23 = arith.constant 0 : index
    %get3A_24 = arith.constant 0 : index
    %get3A_25 = vector.load %arg3[%get3A_23, %get3A_24] : memref<1000x48xf32, #tpu.memory_space<vmem>>, vector<1000x48xf32>
    %add3A_26 = arith.addf %div3A_22, %get3A_25 : vector<1000x48xf32>
    %swap3A = arith.constant 0 : index
    %swap3A_27 = arith.constant 0 : index
    %swap3A_28 = vector.load %arg4[%swap3A, %swap3A_27] : memref<1000x48xf32, #tpu.memory_space<vmem>>, vector<1000x48xf32>
    tpu.vector_store %arg4[%swap3A, %swap3A_27], %add3A_26 {strides = array<i32>} : memref<1000x48xf32, #tpu.memory_space<vmem>>, vector<1000x48xf32>,
    return
  }
  func.func @transform_0(%arg0: i32) -> (i32, i32, i32) {
    %c0_i32 = arith.constant 0 : i32
    %c0_i32_0 = arith.constant 0 : i32
    %c0_i32_1 = arith.constant 0 : i32
    return %c0_i32, %arg0, %c0_i32_0 : i32, i32, i32
  }
  func.func @transform_1(%arg0: i32) -> (i32, i32, i32) {
    %c0_i32 = arith.constant 0 : i32
    %c0_i32_0 = arith.constant 0 : i32
    %c0_i32_1 = arith.constant 0 : i32
    return %c0_i32, %arg0, %c0_i32_0 : i32, i32, i32
  }
  func.func @transform_2(%arg0: i32) -> (i32, i32) {
    %c0_i32 = arith.constant 0 : i32
    %c0_i32_0 = arith.constant 0 : i32
    return %arg0, %c0_i32 : i32, i32
  }
  func.func @transform_3(%arg0: i32) -> (i32, i32) {
    %c0_i32 = arith.constant 0 : i32
    %c0_i32_0 = arith.constant 0 : i32
    return %arg0, %c0_i32 : i32, i32
  }
}

</mosaic_0001>

<sc_bundles>
// kernel: kernel.10.cloned.1.call-start
scs
__scs_entry_jumppad:
0x0: {  	(pc) =	sbr.rel $0x88, $3  }
0x1: {  	(tag) =	ssettag $0x0;
	lr =	simm.s32 $0x1  }
0x2: {  	[smem:$0x3F99] =	sst lr;
	_ =	strace $0xD0000000  }
0x3: {  	_ = 	snop  }
0x4: {  	_ = 	snop  }
0x5: {  	_ = 	snop  }
0x6: {  	_ = 	snop  }
0x7: {  	_ = 	snop  }
__scs_overlays_trampoline_lowered:
0x8: {  	[smem:$0x3FA8] =	sst s0  }
0x9: {  	[smem:$0x3FA9] =	sst s1  }
0xa: {  	[smem:$0x3FAA] =	sst s2  }
0xb: {  	[smem:$0x3FAB] =	sst s3  }
0xc: {  	[smem:$0x3FAC] =	sst s4  }
0xd: {  	[smem:$0x3FAD] =	sst s5  }
0xe: {  	[smem:$0x3FAE] =	sst s6  }
0xf: {  	[smem:$0x3FAF] =	sst s7  }
0x10: {  	[smem:$0x3FB0] =	sst s8  }
0x11: {  	[smem:$0x3FB1] =	sst s9;
	s0 =	simm.s32 @!p0 $0x0  }
0x12: {  	s1 =	sld [smem:$0x3F97];
	s0 =	simm.s32 @p0 $0x1  }
0x13: {  	[smem:$0x3FB2] =	sst s0;
	s0 =	simm.s32 @!p1 $0x0  }
0x14: {  	s2 =	sld [smem:$0x3F96];
	s0 =	simm.s32 @p1 $0x1  }
0x15: {  	[smem:$0x3FB3] =	sst s0;
	s0 =	simm.s32 @!p2 $0x0  }
0x16: {  	s3 =	sld [smem:$0x3FDB];
	s0 =	simm.s32 @p2 $0x1  }
0x17: {  	s4 =	simm.s32 $0x1BF5;
	[smem:$0x3FB5] =	sst s0  }
0x18: {  	s0 =	sld [smem:$0x3F98];
	_ =	swait.ge [sflag:s4], $0x0  }
0x19: {  	s7 =	sld [smem:$0x3F99]  }
0x1a: {  	s8 =	sadd.s32 $0xFFFFE003, lr  }
0x1b: {  	s9 =	sadd.s32 $0xFFFFFEF7, lr;
	s5 =	simm.s32 $0xFFFFFFFF;
	p2 =	slt.u32 s8, $0xFFFFF086  }
0x1c: {  	p1 =	slt.u32 s9, $0xF7A;
	s5 =	simm.s32 @!p2 $0x0  }
0x1d: {  	s5 =	simm.s32 @p1 $0x1;
	p0 =	seq.s32 s7, s2  }
0x1e: {  	s7 =	smul.u32 @!p0 $0xF7A, s2;
	p2 =	seq.s32 @!p0 s5, $0x0  }
0x1f: {  	s9 =	smul.u32 $0xF7A, s1;
	s8 =	simm.s32 @!p0 $0x1BF5;
	p2 =	por !p2, p0  }
0x20: {  	[sflag:s8] =	ssyncset.s32 @!p0 $0xFFFFF086;
	s6 =	sadd.s32 @!p0 s3, s7;
	s7 =	simm.s32 @!p0 $0x108  }
0x21: {  	s3 =	sadd.s32 s3, s9;
	s6 =	sadd.s32 @!p0 $0x88, s6;
	s7 =	simm.s32 @p2 $0x1082  }
0x22: {  	[simem:s7], [sflag:s8] =	dma.local @!p0 [hbm:s6], $0xF7A  }
0x23: {  	s9 =	sor.u32 $0xD0000000, s2;
	s6 =	simm.s32 $0x108;
	_ =	swait.ge @!p0 [sflag:s8], $0x0  }
0x24: {  	s3 =	sadd.s32 $0x88, s3;
	s6 =	simm.s32 @!p1 $0x1082;
	[sflag:s4] =	ssyncset.s32 $0xFFFFF086  }
0x25: {  	[simem:s6], [sflag:s4] =	dma.local [hbm:s3], $0xF7A  }
0x26: {  	[smem:$0x3F99] =	sst s1;
	(tag) =	ssettag s2;
	_ =	strace s9  }
0x27: {  	s1 =	sld [smem:$0x3FA9]  }
0x28: {  	s2 =	sld [smem:$0x3FAA]  }
0x29: {  	s4 =	sld [smem:$0x3FAC]  }
0x2a: {  	p0 =	seq.s32 s5, $0x0;
	s5 =	sld [smem:$0x3FAD]  }
0x2b: {  	s6 =	sld [smem:$0x3FAE]  }
0x2c: {  	s7 =	sld [smem:$0x3FAF]  }
0x2d: {  	s3 =	simm.s32 $0x108;
	s8 =	sld [smem:$0x3FB0]  }
0x2e: {  	s3 =	simm.s32 @!p0 $0x1082;
	s9 =	sld [smem:$0x3FB1]  }
0x2f: {  	lr =	sadd.s32 s0, s3;
	s0 =	sld [smem:$0x3FA8]  }
0x30: {  	s3 =	sld [smem:$0x3FAB]  }
0x31: {  	[smem:$0x3FB4] =	sst s10  }
0x32: {  	s10 =	sld [smem:$0x3FB2];
	_ =	sdelay $0x3  }
0x33: {  	p0 =	seq.s32 s10, $0x1;
	s10 =	sld [smem:$0x3FB4];
	_ =	sdelay $0x3  }
0x34: {  	[smem:$0x3FB4] =	sst s10  }
0x35: {  	s10 =	sld [smem:$0x3FB3];
	_ =	sdelay $0x3  }
0x36: {  	p1 =	seq.s32 s10, $0x1;
	s10 =	sld [smem:$0x3FB4];
	_ =	sdelay $0x3  }
0x37: {  	[smem:$0x3FB4] =	sst s10  }
0x38: {  	s10 =	sld [smem:$0x3FB5]  }
0x39: {  	_ = 	snop;
	(pc) =	sbr.ind lr, $3  }
0x3a: {  	_ = 	snop  }
0x3b: {  	_ = 	snop  }
0x3c: {  	p2 =	seq.s32 s10, $0x1;
	s10 =	sld [smem:$0x3FB4]  }
0x3d: {  	_ =	shalt  }
0x3e: {  	_ =	shalt  }
0x3f: {  	_ =	shalt  }
0x40: {  	_ =	shalt  }
0x41: {  	_ =	shalt  }
0x42: {  	_ =	shalt  }
0x43: {  	_ =	shalt  }
0x44: {  	_ =	shalt  }
0x45: {  	_ =	shalt  }
0x46: {  	_ =	shalt  }
0x47: {  	_ =	shalt  }
0x48: {  	_ =	shalt  }
0x49: {  	_ =	shalt  }
0x4a: {  	_ =	shalt  }
0x4b: {  	_ =	shalt  }
0x4c: {  	_ =	shalt  }
0x4d: {  	_ =	shalt  }
0x4e: {  	_ =	shalt  }
0x4f: {  	_ =	shalt  }
0x50: {  	_ =	shalt  }
0x51: {  	_ =	shalt  }
0x52: {  	_ =	shalt  }
0x53: {  	_ =	shalt  }
0x54: {  	_ =	shalt  }
0x55: {  	_ =	shalt  }
0x56: {  	_ =	shalt  }
0x57: {  	_ =	shalt  }
0x58: {  	_ =	shalt  }
0x59: {  	_ =	shalt  }
0x5a: {  	_ =	shalt  }
0x5b: {  	_ =	shalt  }
0x5c: {  	_ =	shalt  }
0x5d: {  	_ =	shalt  }
0x5e: {  	_ =	shalt  }
0x5f: {  	_ =	shalt  }
0x60: {  	_ =	shalt  }
0x61: {  	_ =	shalt  }
0x62: {  	_ =	shalt  }
0x63: {  	_ =	shalt  }
0x64: {  	_ =	shalt  }
0x65: {  	_ =	shalt  }
0x66: {  	_ =	shalt  }
0x67: {  	_ =	shalt  }
0x68: {  	_ =	shalt  }
0x69: {  	_ =	shalt  }
0x6a: {  	_ =	shalt  }
0x6b: {  	_ =	shalt  }
0x6c: {  	_ =	shalt  }
0x6d: {  	_ =	shalt  }
0x6e: {  	_ =	shalt  }
0x6f: {  	_ =	shalt  }
0x70: {  	_ =	shalt  }
0x71: {  	_ =	shalt  }
0x72: {  	_ =	shalt  }
0x73: {  	_ =	shalt  }
0x74: {  	_ =	shalt  }
0x75: {  	_ =	shalt  }
0x76: {  	_ =	shalt  }
0x77: {  	_ =	shalt  }
0x78: {  	_ =	shalt  }
0x79: {  	_ =	shalt  }
0x7a: {  	_ =	shalt  }
0x7b: {  	_ =	shalt  }
0x7c: {  	_ =	shalt  }
0x7d: {  	_ =	shalt  }
0x7e: {  	_ =	shalt  }
0x7f: {  	_ =	shalt  }
0x80: {  	_ =	shalt  }
0x81: {  	_ =	shalt  }
0x82: {  	_ =	shalt  }
0x83: {  	_ =	shalt  }
0x84: {  	_ =	shalt  }
0x85: {  	_ =	shalt  }
0x86: {  	_ =	shalt  }
0x87: {  	_ =	shalt  }
.Lfunc_end0:
.L_simem_size_0:
called_computation.1_lowered:
.L_overlay_start_0:
0x88: {  	s2 =	sld [smem:$0x3FD9]  }
0x89: {  	s3 =	sld [smem:$0x3FFE];
	_ =	sdelay $0x1  }
0x8a: {  	s1 =	srdreg.scid  }
0x8b: {  	s0 =	sand.u32 $0x1, s1  }
0x8c: {  	s17 =	sshll.u32 s0, $0xA;
	s2 =	sadd.s32 s3, s2  }
0x8d: {  	s2 =	sadd.s32 s2, s17  }
0x8e: {  	[smem:$0x3FC0] =	sst s2  }
0x8f: {  	_ = 	snop  }
0x90: {  	s2 =	sld [smem:$0x3FD0];
	(tm) =	ssettm $0x1  }
0x91: {  	s18 =	sld [smem:$0x3FFB];
	_ =	sdelay $0x3  }
0x92: {  	_ =	strace s18  }
0x93: {  	s3 =	sld [smem:$0x3FFC];
	_ =	sdelay $0x3  }
0x94: {  	_ =	strace s3  }
0x95: {  	s3 =	sld [smem:$0x3FFD];
	_ =	sdelay $0x3  }
0x96: {  	_ =	strace s3  }
0x97: {  	_ =	strace $0x8FFFFFFF  }
0x98: {  	s19 =	sld [smem:$0x3FDB];
	_ =	sdelay $0x1  }
0x99: {  	s4 =	simm.s32 $_scs_section_size  }
0x9a: {  	s5 =	simm.s32 $_size__tile_overlayer_lowered;
	s6 =	simm.s32 $_tile_overlayer_lowered  }
0x9b: {  	s22 =	simm.s32 $0x1BFF;
	s21 =	sshll.u32 s6, $0x1;
	s3 =	sadd.s32 s4, s19  }
0x9c: {  	s7 =	simm.s32 $0x0;
	s20 =	sshll.u32 s5, $0x1;
	s5 =	sadd.s32 s21, s3  }
0x9d: {  	[timem:s7], [sflag:s22] =	dma.local [hbm:s5], s20  }
0x9e: {  	_ =	swait.ge [sflag:s22], s20  }
0x9f: {  	s4 =	ssub.s32 $0x0, s20;
	[sflag:s22] =	ssyncset.done $0x0  }
0xa0: {  	[sflag:s22] =	ssyncadd.s32 s4;
	_ =	sdelay $0x1  }
0xa1: {  	s23 =	simm.s32 $0x1B8B  }
0xa2: {  	_ =	swait.ge [sflag:s23], $0x1  }
0xa3: {  	[sflag:s23] =	ssyncset.done $0x0  }
0xa4: {  	s25 =	simm.s32 $0x1B8E;
	s24 =	sld [smem:$0x3FFE];
	[sflag:s23] =	ssyncadd.s32 $0xFFFFFFFF  }
0xa5: {  	s26 =	simm.s32 $execute0_lowered;
	[smem:$0x3FD2] =	sst s25  }
0xa6: {  	s5 =	sshll.u32 s26, $0x1;
	_ =	strace $0x80000049;
	[dreg:$0x1] =	wrdreg $0xFFFFFFFF  }
0xa7: {  	s28 =	simm.s32 $_size_execute0_lowered;
	s3 =	sadd.s32 s3, s5;
	[dreg:$0x0] =	wrdreg $0x0  }
0xa8: {  	s5 =	sshll.u32 s28, $0x1;
	[dreg:$0x2] =	wrdreg s3  }
0xa9: {  	[dreg:$0x3] =	wrdreg s5  }
0xaa: {  	[dreg:$0x4] =	wrdreg $0xC0  }
0xab: {  	_ =	task [dreg:s7], $0x5FFFF  }
0xac: {  	[dreg:$0x1] =	wrdreg $0xFFFFFFFF  }
0xad: {  	[dreg:$0x0] =	wrdreg $0x60  }
0xae: {  	[dreg:$0x2] =	wrdreg s24  }
0xaf: {  	[dreg:$0x3] =	wrdreg s2  }
0xb0: {  	[dreg:$0x4] =	wrdreg $0xFA00  }
0xb1: {  	[dreg:$0x5] =	wrdreg $0x9  }
0xb2: {  	_ =	task.clear_ibuf [dreg:s7], $0x6FFFF;
	_ =	strace $0x90000049  }
0xb3: {  	s29 =	simm.s32 $0x9;
	_ =	strace $0x8000004B  }
0xb4: {  	_ =	swait.ge [sflag:s29], $0x1  }
0xb5: {  	[sflag:s29] =	ssyncadd.s32 $0xFFFFFFFF  }
0xb6: {  	_ =	strace $0x9000004B  }
0xb7: {  	_ =	sfence  }
0xb8: {  	s30 =	sld [smem:$0x0];
	_ =	sdelay $0x2  }
0xb9: {  	s31 =	sshll.u32 s1, $0xD;
	s1 =	sshrl.u32 s1, $0x2  }
0xba: {  	s3 =	sand.u32 $0x4000, s31;
	s1 =	sadd.s32 s1, s30  }
0xbb: {  	s0 =	sor.u32 s3, s0;
	s1 =	sshll.u32 s1, $0x11  }
0xbc: {  	s0 =	sor.u32 s1, s0  }
0xbd: {  	s0 =	sadd.s32 $0x8F2B, s0  }
0xbe: {  	[sflag:s0] =	ssyncadd.remote.s32 $0x1  }
0xbf: {  	_ =	sfence.sel $0xFFFF  }
0xc0: {  	[dreg:$0x0] =	wrdreg $0xFFFFFFFF;
	(pc) =	sbr.abs _section_cstart, $3  }
0xc1: {  	[dreg:$0x1] =	wrdreg $0xFFFFFFFF  }
0xc2: {  	_ =	task.clear_ibuf [dreg:s7], $0x2FFFF;
	_ =	strace $0x9FFFFFFF  }
0xc3: {  	(tm) =	ssettm $0x7FFFFFFF  }
tec
execute0_lowered:
.L_overlay_start_1:
0x0: {  	(tag) =	ssettag $0x1  }
0x1: {  	s6 =	rddreg [dreg:$0x0]  }
0x2: {  	s2 =	rddreg [dreg:$0x1]  }
0x3: {  	s0 =	srdreg.scid;
	s3 =	rddreg [dreg:$0x2]  }
0x4: {  	s1 =	rddreg [dreg:$0x3];
	s4 =	simm.s32 $0x0;
	s7 =	sand.u32 $0x1, s0  }
0x5: {  	s13 =	simm.s32 $0x50;
	s0 =	stileid.u32;
	s8 =	smul.u32 $0x27100, s7  }
0x6: {  	s14 =	simm.s32 $0xA0;
	s15 =	simm.s32 $0x1;
	s9 =	smul.u32 $0x2710, s0  }
0x7: {  	s16 =	simm.s32 $0x0;
	[smem:$0x7FF] =	sst s4;
	s10 =	smul.u32 $0x7680, s0  }
0x8: {  	s5 =	sadd.s32 $0x15600, s6;
	s11 =	smul.u32 $0x76800, s7;
	s7 =	ssub.s32 $0x2, s7  }
0x9: {  	_ =	strace $0x8000004A;
	s31 =	sshll.u32 s0, $0x6;
	s30 =	sshrl.u32 s7, $0x1  }
0xa: {  	s8 =	sadd.s32 s9, s8;
	s26 =	sadd.s32 s10, s11;
	s9 =	ssub.s32 s7, s30  }
0xb: {  	s12 =	sadd.s32 s10, s3;
	s8 =	sshrl.u32 s8, $0x3;
	s29 =	sshrl.u32 s26, $0x3  }
0xc: {  	s11 =	sshrl.u32 s12, $0x3;
	s28 =	sadd.s32 s8, s6;
	s8 =	sadd.s32 s29, s6  }
0xd: {  	s12 =	simm.s32 $0x2;
	s6 =	sor.u32 $0x1C02, s31;
	s7 =	sadd.s32 $0x24200, s8  }
0xe: {  	s8 =	smax.u32 s9, $0x1;
	s9 =	sadd.s32 $0x1A00, s28;
	s10 =	sadd.s32 $0xB800, s28  }
.LBB2_1:
0xf: {  	[spmem:s11], [sflag:s6] =	dma.local [hbm:s2], $0xED0  }
0x10: {  	_ =	swait.ge [sflag:s12], $0xED0  }
0x11: {  	[sflag:s12] =	ssyncset.done $0x0  }
0x12: {  	[sflag:s12] =	ssyncadd.s32 $0xFFFFF130  }
0x13: {  	s17 =	sadd.s32 $0x0, s10;
	[bflag:$0x0] =	sbarrier.arrive $0xFFFF  }
0x14: {  	[tilespmem:s4], [sflag:$0x2] =	stream.linear.gather [hbm4b:s17+s4], $0x50, $0x38;
	[tilespmem:$0x8620] =	vst v63  }
0x15: {  	_ =	swait.ge [sflag:s12], $0x50  }
0x16: {  	[sflag:s12] =	ssyncset.done $0x0  }
0x17: {  	[sflag:s12] =	ssyncadd.s32 $0xFFFFFFB0  }
0x18: {  	[tilespmem:s14], [sflag:$0x1] =	stream.indirect.gather [hbm4b:s5+s13], $0x30, s4, s13, $0xb8;
	[tilespmem:$0x8620] =	vst v63  }
0x19: {  	s31 =	sadd.s32 $0x0, s9  }
0x1a: {  	[tilespmem:s13], [sflag:$0x2] =	stream.linear.gather [hbm4b:s31+s4], $0x50, $0x38;
	[tilespmem:$0x8620] =	vst v63  }
0x1b: {  	_ =	swait.ge [sflag:s12], $0x50  }
0x1c: {  	[sflag:s12] =	ssyncset.done $0x0  }
0x1d: {  	[sflag:s12] =	ssyncadd.s32 $0xFFFFFFB0  }
0x1e: {  	_ =	swait.ge [sflag:s15], $0xF00  }
0x1f: {  	[sflag:s15] =	ssyncset.done $0x0  }
0x20: {  	[sflag:s15] =	ssyncadd.s32 $0xFFFFF100  }
0x21: {  	[spmem:s3] =	stream.indirect.scatter.add.f32 [tilespmem:s14], [sflag:$0x2], $0x30, s13, s13, $0xb8;
	[tilespmem:$0x8620] =	vst v63  }
0x22: {  	_ =	swait.ge [sflag:s12], $0xF00  }
0x23: {  	s18 =	simm.s32 $0x14;
	s17 =	simm.s32 $0xA;
	[sflag:s12] =	ssyncset.done $0x0  }
.LBB2_2:
0x24: {  	s19 =	sadd.s32 s17, s10  }
0x25: {  	[sflag:s12] =	ssyncadd.s32 $0xFFFFF100;
	s20 =	smov.u32 s18;
	s21 =	sadd.s32 $0xA, s18  }
0x26: {  	[tilespmem:s4], [sflag:$0x2] =	stream.linear.gather [hbm4b:s19+s4], $0x50, $0x38;
	[tilespmem:$0x8620] =	vst v63  }
0x27: {  	p0 =	sne.s32 s18, $0x4D8;
	_ =	swait.ge [sflag:s12], $0x50  }
0x28: {  	[sflag:s12] =	ssyncset.done $0x0  }
0x29: {  	[sflag:s12] =	ssyncadd.s32 $0xFFFFFFB0  }
0x2a: {  	[tilespmem:s14], [sflag:$0x1] =	stream.indirect.gather [hbm4b:s5+s13], $0x30, s4, s13, $0xb8;
	[tilespmem:$0x8620] =	vst v63  }
0x2b: {  	s18 =	sadd.s32 s17, s9;
	s17 =	smov.u32 s20  }
0x2c: {  	[tilespmem:s13], [sflag:$0x2] =	stream.linear.gather [hbm4b:s18+s4], $0x50, $0x38;
	[tilespmem:$0x8620] =	vst v63  }
0x2d: {  	_ =	swait.ge [sflag:s12], $0x50  }
0x2e: {  	[sflag:s12] =	ssyncset.done $0x0  }
0x2f: {  	[sflag:s12] =	ssyncadd.s32 $0xFFFFFFB0  }
0x30: {  	_ =	swait.ge [sflag:s15], $0xF00  }
.Ltmp0:
0x31: {  	[sflag:s15] =	ssyncset.done $0x0;
	(pc) =	sbr.rel @p0 .LBB2_2-.Ltmp0, $4  }
0x32: {  	[sflag:s15] =	ssyncadd.s32 $0xFFFFF100  }
0x33: {  	[spmem:s3] =	stream.indirect.scatter.add.f32 [tilespmem:s14], [sflag:$0x2], $0x30, s13, s13, $0xb8;
	[tilespmem:$0x8620] =	vst v63  }
0x34: {  	_ =	swait.ge [sflag:s12], $0xF00  }
0x35: {  	s18 =	smov.u32 s21;
	[sflag:s12] =	ssyncset.done $0x0  }
0x36: {  	s18 =	sadd.s32 s17, s10;
	[sflag:s12] =	ssyncadd.s32 $0xFFFFF100  }
0x37: {  	[tilespmem:s4], [sflag:$0x2] =	stream.linear.gather [hbm4b:s18+s4], $0x50, $0x38;
	[tilespmem:$0x8620] =	vst v63  }
0x38: {  	_ =	swait.ge [sflag:s12], $0x50  }
0x39: {  	[sflag:s12] =	ssyncset.done $0x0  }
0x3a: {  	[sflag:s12] =	ssyncadd.s32 $0xFFFFFFB0  }
0x3b: {  	[tilespmem:s14], [sflag:$0x1] =	stream.indirect.gather [hbm4b:s5+s13], $0x30, s4, s13, $0xb8;
	[tilespmem:$0x8620] =	vst v63  }
0x3c: {  	s31 =	sadd.s32 s17, s9  }
0x3d: {  	[tilespmem:s13], [sflag:$0x2] =	stream.linear.gather [hbm4b:s31+s4], $0x50, $0x38;
	[tilespmem:$0x8620] =	vst v63  }
0x3e: {  	_ =	swait.ge [sflag:s12], $0x50  }
0x3f: {  	[sflag:s12] =	ssyncset.done $0x0  }
0x40: {  	[sflag:s12] =	ssyncadd.s32 $0xFFFFFFB0  }
0x41: {  	_ =	swait.ge [sflag:s15], $0xF00  }
0x42: {  	[sflag:s15] =	ssyncset.done $0x0  }
0x43: {  	[sflag:s15] =	ssyncadd.s32 $0xFFFFF100  }
0x44: {  	[spmem:s3] =	stream.indirect.scatter.add.f32 [tilespmem:s14], [sflag:$0x2], $0x30, s13, s13, $0xb8;
	[tilespmem:$0x8620] =	vst v63  }
0x45: {  	_ =	swait.ge [sflag:s12], $0xF00  }
0x46: {  	s16 =	sadd.s32 $0x1, s16;
	[sflag:s12] =	ssyncset.done $0x0  }
0x47: {  	p0 =	sne.s32 s16, s8;
	[sflag:s12] =	ssyncadd.s32 $0xFFFFF100  }
.Ltmp1:
0x48: {  	[bflag:$0x0] =	sbarrier.arrive $0xFFFF;
	(pc) =	sbr.rel @p0 .LBB2_1-.Ltmp1, $4  }
0x49: {  	[hbm:s7], [sflag:s6] =	dma.local [spmem:s11], $0xED0  }
0x4a: {  	_ =	swait.ge [sflag:s12], $0xED0  }
0x4b: {  	[sflag:s12] =	ssyncset.done $0x0  }
0x4c: {  	[sflag:s12] =	ssyncadd.s32 $0xFFFFF130  }
0x4d: {  	_ =	sfence.sel $0x180000  }
0x4e: {  	[bflag:$0x0] =	sbarrier.arrive $0xFFFF  }
0x4f: {  	p0 =	sne.s32 s0, $0x0;
	_ =	strace $0x9000004A  }
0x50: {  	s0 =	sadd.s32 @!p0 $0x100000, s1;
	[bflag:$0x2] =	sbarrier.arrive $0xFFFF  }
0x51: {  	[sflag:s0] =	ssyncadd.tile.s32 @!p0 $0x1;
	_ =	shalt  }
.Lfunc_end2:
_tile_overlayer_lowered:
.L_overlay_start_2:
0x52: {  	(tag) =	ssettag $0x2  }
0x53: {  	s0 =	rddreg [dreg:$0x0];
	s2 =	stileid.u32  }
0x54: {  	s1 =	rddreg [dreg:$0x1];
	p0 =	sne.s32 s2, $0x0  }
0x55: {  	s3 =	rddreg [dreg:$0x2];
	[bflag:$0x3] =	sbarrier.arrive $0xFFFF;
	s2 =	simm.s32 @!p0 $0x1C02  }
0x56: {  	[timem:s3], [sflag:s2] =	dma.local @!p0 [hbm:s0], s1  }
0x57: {  	s0 =	simm.s32 @!p0 $0x2  }
0x58: {  	_ =	swait.ge @!p0 [sflag:s0], s1  }
0x59: {  	s1 =	ssub.s32 @!p0 $0x0, s1;
	[sflag:s0] =	ssyncset.done @!p0 $0x0  }
0x5a: {  	[sflag:s0] =	ssyncadd.s32 @!p0 s1  }
0x5b: {  	[bflag:$0x3] =	sbarrier.arrive $0xFFFF  }
0x5c: {  	_ =	shalt  }

// kernel: kernel.7.cloned.1.call-start
scs
__scs_entry_jumppad:
0x0: {  	(pc) =	sbr.rel $0x88, $3  }
0x1: {  	(tag) =	ssettag $0x0;
	lr =	simm.s32 $0x1  }
0x2: {  	[smem:$0x3F99] =	sst lr;
	_ =	strace $0xD0000000  }
0x3: {  	_ = 	snop  }
0x4: {  	_ = 	snop  }
0x5: {  	_ = 	snop  }
0x6: {  	_ = 	snop  }
0x7: {  	_ = 	snop  }
__scs_overlays_trampoline_lowered:
0x8: {  	[smem:$0x3FA8] =	sst s0  }
0x9: {  	[smem:$0x3FA9] =	sst s1  }
0xa: {  	[smem:$0x3FAA] =	sst s2  }
0xb: {  	[smem:$0x3FAB] =	sst s3  }
0xc: {  	[smem:$0x3FAC] =	sst s4  }
0xd: {  	[smem:$0x3FAD] =	sst s5  }
0xe: {  	[smem:$0x3FAE] =	sst s6  }
0xf: {  	[smem:$0x3FAF] =	sst s7  }
0x10: {  	[smem:$0x3FB0] =	sst s8  }
0x11: {  	[smem:$0x3FB1] =	sst s9;
	s0 =	simm.s32 @!p0 $0x0  }
0x12: {  	s1 =	sld [smem:$0x3F97];
	s0 =	simm.s32 @p0 $0x1  }
0x13: {  	[smem:$0x3FB2] =	sst s0;
	s0 =	simm.s32 @!p1 $0x0  }
0x14: {  	s2 =	sld [smem:$0x3F96];
	s0 =	simm.s32 @p1 $0x1  }
0x15: {  	[smem:$0x3FB3] =	sst s0;
	s0 =	simm.s32 @!p2 $0x0  }
0x16: {  	s3 =	sld [smem:$0x3FDB];
	s0 =	simm.s32 @p2 $0x1  }
0x17: {  	s4 =	simm.s32 $0x1BF5;
	[smem:$0x3FB5] =	sst s0  }
0x18: {  	s0 =	sld [smem:$0x3F98];
	_ =	swait.ge [sflag:s4], $0x0  }
0x19: {  	s7 =	sld [smem:$0x3F99]  }
0x1a: {  	s8 =	sadd.s32 $0xFFFFE003, lr  }
0x1b: {  	s9 =	sadd.s32 $0xFFFFFEF7, lr;
	s5 =	simm.s32 $0xFFFFFFFF;
	p2 =	slt.u32 s8, $0xFFFFF086  }
0x1c: {  	p1 =	slt.u32 s9, $0xF7A;
	s5 =	simm.s32 @!p2 $0x0  }
0x1d: {  	s5 =	simm.s32 @p1 $0x1;
	p0 =	seq.s32 s7, s2  }
0x1e: {  	s7 =	smul.u32 @!p0 $0xF7A, s2;
	p2 =	seq.s32 @!p0 s5, $0x0  }
0x1f: {  	s9 =	smul.u32 $0xF7A, s1;
	s8 =	simm.s32 @!p0 $0x1BF5;
	p2 =	por !p2, p0  }
0x20: {  	[sflag:s8] =	ssyncset.s32 @!p0 $0xFFFFF086;
	s6 =	sadd.s32 @!p0 s3, s7;
	s7 =	simm.s32 @!p0 $0x108  }
0x21: {  	s3 =	sadd.s32 s3, s9;
	s6 =	sadd.s32 @!p0 $0x88, s6;
	s7 =	simm.s32 @p2 $0x1082  }
0x22: {  	[simem:s7], [sflag:s8] =	dma.local @!p0 [hbm:s6], $0xF7A  }
0x23: {  	s9 =	sor.u32 $0xD0000000, s2;
	s6 =	simm.s32 $0x108;
	_ =	swait.ge @!p0 [sflag:s8], $0x0  }
0x24: {  	s3 =	sadd.s32 $0x88, s3;
	s6 =	simm.s32 @!p1 $0x1082;
	[sflag:s4] =	ssyncset.s32 $0xFFFFF086  }
0x25: {  	[simem:s6], [sflag:s4] =	dma.local [hbm:s3], $0xF7A  }
0x26: {  	[smem:$0x3F99] =	sst s1;
	(tag) =	ssettag s2;
	_ =	strace s9  }
0x27: {  	s1 =	sld [smem:$0x3FA9]  }
0x28: {  	s2 =	sld [smem:$0x3FAA]  }
0x29: {  	s4 =	sld [smem:$0x3FAC]  }
0x2a: {  	p0 =	seq.s32 s5, $0x0;
	s5 =	sld [smem:$0x3FAD]  }
0x2b: {  	s6 =	sld [smem:$0x3FAE]  }
0x2c: {  	s7 =	sld [smem:$0x3FAF]  }
0x2d: {  	s3 =	simm.s32 $0x108;
	s8 =	sld [smem:$0x3FB0]  }
0x2e: {  	s3 =	simm.s32 @!p0 $0x1082;
	s9 =	sld [smem:$0x3FB1]  }
0x2f: {  	lr =	sadd.s32 s0, s3;
	s0 =	sld [smem:$0x3FA8]  }
0x30: {  	s3 =	sld [smem:$0x3FAB]  }
0x31: {  	[smem:$0x3FB4] =	sst s10  }
0x32: {  	s10 =	sld [smem:$0x3FB2];
	_ =	sdelay $0x3  }
0x33: {  	p0 =	seq.s32 s10, $0x1;
	s10 =	sld [smem:$0x3FB4];
	_ =	sdelay $0x3  }
0x34: {  	[smem:$0x3FB4] =	sst s10  }
0x35: {  	s10 =	sld [smem:$0x3FB3];
	_ =	sdelay $0x3  }
0x36: {  	p1 =	seq.s32 s10, $0x1;
	s10 =	sld [smem:$0x3FB4];
	_ =	sdelay $0x3  }
0x37: {  	[smem:$0x3FB4] =	sst s10  }
0x38: {  	s10 =	sld [smem:$0x3FB5]  }
0x39: {  	_ = 	snop;
	(pc) =	sbr.ind lr, $3  }
0x3a: {  	_ = 	snop  }
0x3b: {  	_ = 	snop  }
0x3c: {  	p2 =	seq.s32 s10, $0x1;
	s10 =	sld [smem:$0x3FB4]  }
0x3d: {  	_ =	shalt  }
0x3e: {  	_ =	shalt  }
0x3f: {  	_ =	shalt  }
0x40: {  	_ =	shalt  }
0x41: {  	_ =	shalt  }
0x42: {  	_ =	shalt  }
0x43: {  	_ =	shalt  }
0x44: {  	_ =	shalt  }
0x45: {  	_ =	shalt  }
0x46: {  	_ =	shalt  }
0x47: {  	_ =	shalt  }
0x48: {  	_ =	shalt  }
0x49: {  	_ =	shalt  }
0x4a: {  	_ =	shalt  }
0x4b: {  	_ =	shalt  }
0x4c: {  	_ =	shalt  }
0x4d: {  	_ =	shalt  }
0x4e: {  	_ =	shalt  }
0x4f: {  	_ =	shalt  }
0x50: {  	_ =	shalt  }
0x51: {  	_ =	shalt  }
0x52: {  	_ =	shalt  }
0x53: {  	_ =	shalt  }
0x54: {  	_ =	shalt  }
0x55: {  	_ =	shalt  }
0x56: {  	_ =	shalt  }
0x57: {  	_ =	shalt  }
0x58: {  	_ =	shalt  }
0x59: {  	_ =	shalt  }
0x5a: {  	_ =	shalt  }
0x5b: {  	_ =	shalt  }
0x5c: {  	_ =	shalt  }
0x5d: {  	_ =	shalt  }
0x5e: {  	_ =	shalt  }
0x5f: {  	_ =	shalt  }
0x60: {  	_ =	shalt  }
0x61: {  	_ =	shalt  }
0x62: {  	_ =	shalt  }
0x63: {  	_ =	shalt  }
0x64: {  	_ =	shalt  }
0x65: {  	_ =	shalt  }
0x66: {  	_ =	shalt  }
0x67: {  	_ =	shalt  }
0x68: {  	_ =	shalt  }
0x69: {  	_ =	shalt  }
0x6a: {  	_ =	shalt  }
0x6b: {  	_ =	shalt  }
0x6c: {  	_ =	shalt  }
0x6d: {  	_ =	shalt  }
0x6e: {  	_ =	shalt  }
0x6f: {  	_ =	shalt  }
0x70: {  	_ =	shalt  }
0x71: {  	_ =	shalt  }
0x72: {  	_ =	shalt  }
0x73: {  	_ =	shalt  }
0x74: {  	_ =	shalt  }
0x75: {  	_ =	shalt  }
0x76: {  	_ =	shalt  }
0x77: {  	_ =	shalt  }
0x78: {  	_ =	shalt  }
0x79: {  	_ =	shalt  }
0x7a: {  	_ =	shalt  }
0x7b: {  	_ =	shalt  }
0x7c: {  	_ =	shalt  }
0x7d: {  	_ =	shalt  }
0x7e: {  	_ =	shalt  }
0x7f: {  	_ =	shalt  }
0x80: {  	_ =	shalt  }
0x81: {  	_ =	shalt  }
0x82: {  	_ =	shalt  }
0x83: {  	_ =	shalt  }
0x84: {  	_ =	shalt  }
0x85: {  	_ =	shalt  }
0x86: {  	_ =	shalt  }
0x87: {  	_ =	shalt  }
.Lfunc_end0:
.L_simem_size_0:
called_computation_lowered:
.L_overlay_start_0:
0x88: {  	s2 =	sld [smem:$0x3FD9]  }
0x89: {  	s3 =	sld [smem:$0x3FFE];
	_ =	sdelay $0x1  }
0x8a: {  	s1 =	srdreg.scid  }
0x8b: {  	s0 =	sand.u32 $0x1, s1  }
0x8c: {  	s17 =	sshll.u32 s0, $0xA;
	s2 =	sadd.s32 s3, s2  }
0x8d: {  	s2 =	sadd.s32 s2, s17  }
0x8e: {  	[smem:$0x3FC0] =	sst s2  }
0x8f: {  	_ = 	snop  }
0x90: {  	s2 =	sld [smem:$0x3FC9]  }
0x91: {  	s18 =	sld [smem:$0x3FD0];
	(tm) =	ssettm $0x1  }
0x92: {  	s4 =	sld [smem:$0x3FFB];
	_ =	sdelay $0x3  }
0x93: {  	_ =	strace s4  }
0x94: {  	s4 =	sld [smem:$0x3FFC];
	_ =	sdelay $0x3  }
0x95: {  	_ =	strace s4  }
0x96: {  	s4 =	sld [smem:$0x3FFD];
	_ =	sdelay $0x3  }
0x97: {  	_ =	strace s4  }
0x98: {  	_ =	strace $0x8FFFFFFF  }
0x99: {  	s19 =	sld [smem:$0x3FDB];
	_ =	sdelay $0x1  }
0x9a: {  	s5 =	simm.s32 $_scs_section_size  }
0x9b: {  	s6 =	simm.s32 $_size__tile_overlayer_lowered;
	s7 =	simm.s32 $_tile_overlayer_lowered  }
0x9c: {  	s22 =	simm.s32 $0x1BFF;
	s21 =	sshll.u32 s7, $0x1;
	s4 =	sadd.s32 s5, s19  }
0x9d: {  	s8 =	simm.s32 $0x0;
	s20 =	sshll.u32 s6, $0x1;
	s6 =	sadd.s32 s21, s4  }
0x9e: {  	[timem:s8], [sflag:s22] =	dma.local [hbm:s6], s20  }
0x9f: {  	_ =	swait.ge [sflag:s22], s20  }
0xa0: {  	s5 =	ssub.s32 $0x0, s20;
	[sflag:s22] =	ssyncset.done $0x0  }
0xa1: {  	[sflag:s22] =	ssyncadd.s32 s5;
	_ =	sdelay $0x1  }
0xa2: {  	s23 =	simm.s32 $0x1B8B  }
0xa3: {  	_ =	swait.ge [sflag:s23], $0x1  }
0xa4: {  	[sflag:s23] =	ssyncset.done $0x0  }
0xa5: {  	s25 =	simm.s32 $0x1B8E;
	s24 =	sld [smem:$0x3FFE];
	[sflag:s23] =	ssyncadd.s32 $0xFFFFFFFF  }
0xa6: {  	s26 =	simm.s32 $execute0_lowered;
	[smem:$0x3FD2] =	sst s25  }
0xa7: {  	s6 =	sshll.u32 s26, $0x1;
	_ =	strace $0x80000046;
	[dreg:$0x1] =	wrdreg $0xFFFFFFFF  }
0xa8: {  	s28 =	simm.s32 $_size_execute0_lowered;
	s4 =	sadd.s32 s4, s6;
	[dreg:$0x0] =	wrdreg $0x0  }
0xa9: {  	s6 =	sshll.u32 s28, $0x1;
	[dreg:$0x2] =	wrdreg s4  }
0xaa: {  	[dreg:$0x3] =	wrdreg s6  }
0xab: {  	[dreg:$0x4] =	wrdreg $0xC0  }
0xac: {  	_ =	task [dreg:s8], $0x5FFFF  }
0xad: {  	[dreg:$0x1] =	wrdreg $0xFFFFFFFF  }
0xae: {  	[dreg:$0x0] =	wrdreg $0x60  }
0xaf: {  	[dreg:$0x2] =	wrdreg s2  }
0xb0: {  	[dreg:$0x3] =	wrdreg s24  }
0xb1: {  	[dreg:$0x4] =	wrdreg s18  }
0xb2: {  	[dreg:$0x5] =	wrdreg $0x28A00  }
0xb3: {  	[dreg:$0x6] =	wrdreg $0x169A00  }
0xb4: {  	[dreg:$0x7] =	wrdreg $0x9  }
0xb5: {  	_ =	task.clear_ibuf [dreg:s8], $0x8FFFF;
	_ =	strace $0x90000046  }
0xb6: {  	s29 =	simm.s32 $0x9;
	_ =	strace $0x80000048  }
0xb7: {  	_ =	swait.ge [sflag:s29], $0x1  }
0xb8: {  	[sflag:s29] =	ssyncadd.s32 $0xFFFFFFFF  }
0xb9: {  	_ =	strace $0x90000048  }
0xba: {  	_ =	sfence  }
0xbb: {  	s30 =	sld [smem:$0x0];
	_ =	sdelay $0x2  }
0xbc: {  	s31 =	sshll.u32 s1, $0xD;
	s1 =	sshrl.u32 s1, $0x2  }
0xbd: {  	s3 =	sand.u32 $0x4000, s31;
	s1 =	sadd.s32 s1, s30  }
0xbe: {  	s0 =	sor.u32 s3, s0;
	s1 =	sshll.u32 s1, $0x11  }
0xbf: {  	s0 =	sor.u32 s1, s0  }
0xc0: {  	s0 =	sadd.s32 $0x8F2B, s0  }
0xc1: {  	[sflag:s0] =	ssyncadd.remote.s32 $0x1  }
0xc2: {  	_ =	sfence.sel $0xFFFF  }
0xc3: {  	[dreg:$0x0] =	wrdreg $0xFFFFFFFF;
	(pc) =	sbr.abs _section_cstart, $3  }
0xc4: {  	[dreg:$0x1] =	wrdreg $0xFFFFFFFF  }
0xc5: {  	_ =	task.clear_ibuf [dreg:s8], $0x2FFFF;
	_ =	strace $0x9FFFFFFF  }
0xc6: {  	(tm) =	ssettm $0x7FFFFFFF  }
0xc7: {  	_ =	shalt  }
tec
execute0_lowered:
.L_overlay_start_1:
0x0: {  	(tag) =	ssettag $0x1  }
0x1: {  	s0 =	rddreg [dreg:$0x0]  }
0x2: {  	s9 =	rddreg [dreg:$0x1]  }
0x3: {  	s11 =	rddreg [dreg:$0x2]  }
0x4: {  	s3 =	rddreg [dreg:$0x3]  }
0x5: {  	s1 =	srdreg.scid;
	s4 =	rddreg [dreg:$0x4]  }
0x6: {  	s2 =	rddreg [dreg:$0x5];
	s10 =	sand.u32 $0x1, s1  }
0x7: {  	s1 =	stileid.u32;
	s6 =	smul.u32 $0x27100, s10  }
0x8: {  	s5 =	simm.s32 $0x0;
	s19 =	simm.s32 $0x50;
	s7 =	smul.u32 $0x2710, s1  }
0x9: {  	s20 =	simm.s32 $0xA0;
	s21 =	simm.s32 $0x1;
	s12 =	smul.u32 $0x13C00, s1  }
0xa: {  	s22 =	simm.s32 $0x0;
	[smem:$0x7FF] =	sst s5;
	s13 =	smul.u32 $0x13C000, s10  }
0xb: {  	s8 =	sadd.s32 $0x18400, s9;
	_ =	strace $0x80000047;
	s16 =	smul.u32 $0x2780, s1  }
0xc: {  	s15 =	ssub.s32 $0x2, s10;
	s10 =	smul.u32 $0x27800, s10;
	s29 =	sshll.u32 s1, $0x6  }
0xd: {  	s17 =	sshrl.u32 s15, $0x1;
	s6 =	sadd.s32 s7, s6;
	s7 =	sadd.s32 $0x17E00, s9  }
0xe: {  	s13 =	sadd.s32 s12, s13;
	s15 =	ssub.s32 s15, s17;
	s30 =	sadd.s32 s12, s3  }
0xf: {  	s31 =	sadd.s32 s16, s10;
	s18 =	sadd.s32 s16, s4;
	s16 =	simm.s32 $0x2  }
0x10: {  	s6 =	sshrl.u32 s6, $0x3;
	s13 =	sshrl.u32 s13, $0x3;
	s12 =	sshrl.u32 s31, $0x3  }
0x11: {  	s17 =	sshrl.u32 s18, $0x3;
	s18 =	simm.s32 $0x164A0;
	s14 =	sadd.s32 s6, s9  }
0x12: {  	s6 =	sadd.s32 $0x15600, s9;
	s13 =	sadd.s32 s13, s9;
	s9 =	sor.u32 $0x1C02, s29  }
0x13: {  	s11 =	sadd.s32 s11, s12;
	s12 =	smax.u32 s15, $0x1;
	s15 =	sshrl.u32 s30, $0x3  }
0x14: {  	s10 =	sadd.s32 $0x18600, s13;
	s13 =	sadd.s32 $0x1A00, s14;
	s14 =	sadd.s32 $0xB800, s14  }
.LBB2_1:
0x15: {  	[spmem:s15], [sflag:s9] =	dma.local [hbm:s6], $0x2780  }
0x16: {  	_ =	swait.ge [sflag:s16], $0x2780  }
0x17: {  	[sflag:s16] =	ssyncset.done $0x0  }
0x18: {  	[sflag:s16] =	ssyncadd.s32 $0xFFFFD880  }
0x19: {  	[spmem:s17], [sflag:s9] =	dma.local [hbm:s7], $0x4F0  }
0x1a: {  	_ =	swait.ge [sflag:s16], $0x4F0  }
0x1b: {  	[sflag:s16] =	ssyncset.done $0x0  }
0x1c: {  	[sflag:s16] =	ssyncadd.s32 $0xFFFFFB10  }
0x1d: {  	[tilespmem:s18], [sflag:$0x2] =	stream.linear.gather [hbm4b:s8+s5], $0x500, $0x38;
	[tilespmem:$0x19120] =	vst v63  }
0x1e: {  	_ =	swait.ge [sflag:s16], $0x500  }
0x1f: {  	[sflag:s16] =	ssyncset.done $0x0  }
0x20: {  	[sflag:s16] =	ssyncadd.s32 $0xFFFFFB00  }
0x21: {  	s23 =	sadd.s32 $0x0, s14;
	[bflag:$0x0] =	sbarrier.arrive $0xFFFF  }
0x22: {  	[tilespmem:s5], [sflag:$0x2] =	stream.linear.gather [hbm4b:s23+s5], $0x50, $0x38;
	[tilespmem:$0x19120] =	vst v63  }
0x23: {  	_ =	swait.ge [sflag:s16], $0x50  }
0x24: {  	[sflag:s16] =	ssyncset.done $0x0  }
0x25: {  	[sflag:s16] =	ssyncadd.s32 $0xFFFFFFB0  }
0x26: {  	[tilespmem:s20], [sflag:$0x1] =	stream.indirect.gather [hbm4b:s0+s19], $0x80, s5, s19, $0xb8;
	[tilespmem:$0x19120] =	vst v63  }
0x27: {  	s31 =	sadd.s32 $0x0, s13  }
0x28: {  	[tilespmem:s19], [sflag:$0x2] =	stream.linear.gather [hbm4b:s31+s5], $0x50, $0x38;
	[tilespmem:$0x19120] =	vst v63  }
0x29: {  	_ =	swait.ge [sflag:s16], $0x50  }
0x2a: {  	[sflag:s16] =	ssyncset.done $0x0  }
0x2b: {  	[sflag:s16] =	ssyncadd.s32 $0xFFFFFFB0  }
0x2c: {  	_ =	swait.ge [sflag:s21], $0x2800  }
0x2d: {  	[sflag:s21] =	ssyncset.done $0x0  }
0x2e: {  	[sflag:s21] =	ssyncadd.s32 $0xFFFFD800  }
0x2f: {  	[spmem:s3] =	stream.indirect.scatter.add.f32 [tilespmem:s20], [sflag:$0x2], $0x80, s19, s19, $0xb8;
	[tilespmem:$0x19120] =	vst v63  }
0x30: {  	_ =	swait.ge [sflag:s16], $0x2800  }
0x31: {  	[sflag:s16] =	ssyncset.done $0x0  }
0x32: {  	[sflag:s16] =	ssyncadd.s32 $0xFFFFD800  }
0x33: {  	[spmem:s4] =	stream.indirect.scatter.add.f32 [tilespmem:s18], [sflag:$0x2], $0x10, s19, s19, $0xb8;
	[tilespmem:$0x19120] =	vst v63  }
0x34: {  	_ =	swait.ge [sflag:s16], $0x500  }
0x35: {  	s24 =	simm.s32 $0x14;
	s23 =	simm.s32 $0xA;
	[sflag:s16] =	ssyncset.done $0x0  }
.LBB2_2:
0x36: {  	s25 =	sadd.s32 s23, s14  }
0x37: {  	[sflag:s16] =	ssyncadd.s32 $0xFFFFFB00;
	s26 =	smov.u32 s24;
	s28 =	sadd.s32 $0xA, s24  }
0x38: {  	[tilespmem:s5], [sflag:$0x2] =	stream.linear.gather [hbm4b:s25+s5], $0x50, $0x38;
	[tilespmem:$0x19120] =	vst v63  }
0x39: {  	p0 =	sne.s32 s24, $0x4D8;
	_ =	swait.ge [sflag:s16], $0x50  }
0x3a: {  	[sflag:s16] =	ssyncset.done $0x0  }
0x3b: {  	[sflag:s16] =	ssyncadd.s32 $0xFFFFFFB0  }
0x3c: {  	[tilespmem:s20], [sflag:$0x1] =	stream.indirect.gather [hbm4b:s0+s19], $0x80, s5, s19, $0xb8;
	[tilespmem:$0x19120] =	vst v63  }
0x3d: {  	s24 =	sadd.s32 s23, s13;
	s23 =	smov.u32 s26  }
0x3e: {  	[tilespmem:s19], [sflag:$0x2] =	stream.linear.gather [hbm4b:s24+s5], $0x50, $0x38;
	[tilespmem:$0x19120] =	vst v63  }
0x3f: {  	_ =	swait.ge [sflag:s16], $0x50  }
0x40: {  	[sflag:s16] =	ssyncset.done $0x0  }
0x41: {  	[sflag:s16] =	ssyncadd.s32 $0xFFFFFFB0  }
0x42: {  	_ =	swait.ge [sflag:s21], $0x2800  }
0x43: {  	[sflag:s21] =	ssyncset.done $0x0  }
0x44: {  	[sflag:s21] =	ssyncadd.s32 $0xFFFFD800  }
0x45: {  	[spmem:s3] =	stream.indirect.scatter.add.f32 [tilespmem:s20], [sflag:$0x2], $0x80, s19, s19, $0xb8;
	[tilespmem:$0x19120] =	vst v63  }
0x46: {  	_ =	swait.ge [sflag:s16], $0x2800  }
.Ltmp0:
0x47: {  	[sflag:s16] =	ssyncset.done $0x0;
	(pc) =	sbr.rel @p0 .LBB2_2-.Ltmp0, $4  }
0x48: {  	[sflag:s16] =	ssyncadd.s32 $0xFFFFD800  }
0x49: {  	[spmem:s4] =	stream.indirect.scatter.add.f32 [tilespmem:s18], [sflag:$0x2], $0x10, s19, s19, $0xb8;
	[tilespmem:$0x19120] =	vst v63  }
0x4a: {  	_ =	swait.ge [sflag:s16], $0x500  }
0x4b: {  	s24 =	smov.u32 s28;
	[sflag:s16] =	ssyncset.done $0x0  }
0x4c: {  	s24 =	sadd.s32 s23, s14;
	[sflag:s16] =	ssyncadd.s32 $0xFFFFFB00  }
0x4d: {  	[tilespmem:s5], [sflag:$0x2] =	stream.linear.gather [hbm4b:s24+s5], $0x50, $0x38;
	[tilespmem:$0x19120] =	vst v63  }
0x4e: {  	_ =	swait.ge [sflag:s16], $0x50  }
0x4f: {  	[sflag:s16] =	ssyncset.done $0x0  }
0x50: {  	[sflag:s16] =	ssyncadd.s32 $0xFFFFFFB0  }
0x51: {  	[tilespmem:s20], [sflag:$0x1] =	stream.indirect.gather [hbm4b:s0+s19], $0x80, s5, s19, $0xb8;
	[tilespmem:$0x19120] =	vst v63  }
0x52: {  	s31 =	sadd.s32 s23, s13  }
0x53: {  	[tilespmem:s19], [sflag:$0x2] =	stream.linear.gather [hbm4b:s31+s5], $0x50, $0x38;
	[tilespmem:$0x19120] =	vst v63  }
0x54: {  	_ =	swait.ge [sflag:s16], $0x50  }
0x55: {  	[sflag:s16] =	ssyncset.done $0x0  }
0x56: {  	[sflag:s16] =	ssyncadd.s32 $0xFFFFFFB0  }
0x57: {  	_ =	swait.ge [sflag:s21], $0x2800  }
0x58: {  	[sflag:s21] =	ssyncset.done $0x0  }
0x59: {  	[sflag:s21] =	ssyncadd.s32 $0xFFFFD800  }
0x5a: {  	[spmem:s3] =	stream.indirect.scatter.add.f32 [tilespmem:s20], [sflag:$0x2], $0x80, s19, s19, $0xb8;
	[tilespmem:$0x19120] =	vst v63  }
0x5b: {  	_ =	swait.ge [sflag:s16], $0x2800  }
0x5c: {  	[sflag:s16] =	ssyncset.done $0x0  }
0x5d: {  	[sflag:s16] =	ssyncadd.s32 $0xFFFFD800  }
0x5e: {  	[spmem:s4] =	stream.indirect.scatter.add.f32 [tilespmem:s18], [sflag:$0x2], $0x10, s19, s19, $0xb8;
	[tilespmem:$0x19120] =	vst v63  }
0x5f: {  	_ =	swait.ge [sflag:s16], $0x500  }
0x60: {  	[sflag:s16] =	ssyncset.done $0x0  }
0x61: {  	[sflag:s16] =	ssyncadd.s32 $0xFFFFFB00  }
0x62: {  	[bflag:$0x0] =	sbarrier.arrive $0xFFFF  }
0x63: {  	[hbm:s10], [sflag:s9] =	dma.local [spmem:s15], $0x2780  }
0x64: {  	s22 =	sadd.s32 $0x1, s22;
	_ =	swait.ge [sflag:s16], $0x2780  }
0x65: {  	p0 =	sne.s32 s22, s12;
	[sflag:s16] =	ssyncset.done $0x0  }
.Ltmp1:
0x66: {  	[sflag:s16] =	ssyncadd.s32 $0xFFFFD880;
	(pc) =	sbr.rel @p0 .LBB2_1-.Ltmp1, $4  }
0x67: {  	[hbm:s11], [sflag:s9] =	dma.local [spmem:s17], $0x4F0  }
0x68: {  	_ =	swait.ge [sflag:s16], $0x4F0  }
0x69: {  	[sflag:s16] =	ssyncset.done $0x0  }
0x6a: {  	[sflag:s16] =	ssyncadd.s32 $0xFFFFFB10  }
0x6b: {  	_ =	sfence.sel $0x180000  }
0x6c: {  	[bflag:$0x0] =	sbarrier.arrive $0xFFFF  }
0x6d: {  	p0 =	sne.s32 s1, $0x0;
	_ =	strace $0x90000047  }
0x6e: {  	s0 =	sadd.s32 @!p0 $0x100000, s2;
	[bflag:$0x2] =	sbarrier.arrive $0xFFFF  }
0x6f: {  	[sflag:s0] =	ssyncadd.tile.s32 @!p0 $0x1;
	_ =	shalt  }
.Lfunc_end2:
_tile_overlayer_lowered:
.L_overlay_start_2:
0x70: {  	(tag) =	ssettag $0x2  }
0x71: {  	s0 =	rddreg [dreg:$0x0];
	s2 =	stileid.u32  }
0x72: {  	s1 =	rddreg [dreg:$0x1];
	p0 =	sne.s32 s2, $0x0  }
0x73: {  	s3 =	rddreg [dreg:$0x2];
	[bflag:$0x3] =	sbarrier.arrive $0xFFFF;
	s2 =	simm.s32 @!p0 $0x1C02  }
0x74: {  	[timem:s3], [sflag:s2] =	dma.local @!p0 [hbm:s0], s1  }
0x75: {  	s0 =	simm.s32 @!p0 $0x2  }
0x76: {  	_ =	swait.ge @!p0 [sflag:s0], s1  }
0x77: {  	s1 =	ssub.s32 @!p0 $0x0, s1;
	[sflag:s0] =	ssyncset.done @!p0 $0x0  }
0x78: {  	[sflag:s0] =	ssyncadd.s32 @!p0 s1  }
0x79: {  	[bflag:$0x3] =	sbarrier.arrive $0xFFFF  }
0x7a: {  	_ =	shalt  }

</sc_bundles>
